<compile_context>
chip_gen: v7x
topology: tpu7x:2x2x1
jax: 0.10.2.dev20260603
libtpu: 0.0.44.dev20260713+nightly
codegen_flags: <defaults>
</compile_context>

<pallas_src>
import functools

import jax
import jax.numpy as jnp
from jax import lax
from jax.experimental import pallas as pl
from jax.experimental.pallas import tpu as pltpu
from jax.experimental.pallas import tpu_sc as plsc

_DIM = 64
_N_EMBED = 1024
_BETA = 0.25

_TILE_M = 576
_PAD_M = 640


def _dist_body(xt_ref, e_ref, ind_ref, loss_ref, t3_ref):
    pid = pl.program_id(0)
    x = xt_ref[0].T
    e = e_ref[...]
    s = jax.lax.dot_general(
        x, e, (((1,), (0,)), ((), ())), preferred_element_type=jnp.float32
    )
    x2 = jnp.sum(x * x, axis=1, keepdims=True)
    e2 = jnp.sum(e * e, axis=0, keepdims=True)
    dist = x2 - 2.0 * s + e2
    m = jnp.min(dist, axis=1, keepdims=True)
    cols = jax.lax.broadcasted_iota(jnp.int32, dist.shape, 1).astype(jnp.float32)
    hit = jnp.where(dist <= m, cols, float(_N_EMBED))
    ind_ref[0, 0, :_TILE_M] = jnp.min(hit, axis=1).astype(jnp.int32)
    part = jnp.sum(m)

    @pl.when(pid == 0)
    def _():
        loss_ref[0, 0] = 0.0
        for k in range(_N_EMBED // 128):
            t3_ref[:, k, :] = e[:, 128 * k:128 * (k + 1)]

    loss_ref[0, 0] += part


def _dist_argmin(input_t, embed):
    count = input_t.shape[0]
    ind, loss_sum, table3 = pl.pallas_call(
        _dist_body,
        grid=(count,),
        in_specs=[
            pl.BlockSpec((1, _DIM, _TILE_M), lambda i: (i, 0, 0)),
            pl.BlockSpec((_DIM, _N_EMBED), lambda i: (0, 0)),
        ],
        out_specs=[
            pl.BlockSpec((1, 1, _PAD_M), lambda i: (i, 0, 0)),
            pl.BlockSpec(memory_space=pltpu.SMEM),
            pl.BlockSpec((_DIM, _N_EMBED // 128, 128), lambda i: (0, 0, 0)),
        ],
        out_shape=[
            jax.ShapeDtypeStruct((count, 1, _PAD_M), jnp.int32),
            jax.ShapeDtypeStruct((1, 1), jnp.float32),
            jax.ShapeDtypeStruct((_DIM, _N_EMBED // 128, 128), jnp.float32),
        ],
    )(input_t, embed)
    return ind, loss_sum[0, 0], table3


def _make_gather(nb):
    dh = _DIM * nb // 32
    groups = _TILE_M // 16
    mesh = plsc.VectorSubcoreMesh(core_axis_name="c", subcore_axis_name="s")

    @functools.partial(
        pl.kernel,
        mesh=mesh,
        compiler_params=pltpu.CompilerParams(
            use_tc_tiling_on_sc=False,
            needs_layout_passes=False,
            disable_bounds_checks=True,
        ),
        out_type=jax.ShapeDtypeStruct((nb, _DIM, _PAD_M), jnp.float32),
        scratch_types=[
            pltpu.VMEM((dh, _N_EMBED // 128, 128), jnp.float32),
            pltpu.VMEM((_PAD_M,), jnp.int32),
            pltpu.VMEM((dh, _PAD_M), jnp.float32),
            pltpu.SemaphoreType.DMA,
        ],
    )
    def gather(table_hbm, idx_hbm, out_hbm, table_v, idx_v, rows_v, sem):
        wid = lax.axis_index("s") * 2 + lax.axis_index("c")
        nsplit = 32 // nb
        b = wid // nsplit
        d0 = (wid % nsplit) * dh
        cp = pltpu.async_copy(table_hbm.at[pl.ds(d0, dh)], table_v, sem)
        pltpu.sync_copy(idx_hbm.at[b, 0], idx_v)
        cp.wait()
        lanes = lax.iota(jnp.int32, 16)
        zeros = lanes * 0

        def body(g, carry):
            idx16 = idx_v[pl.ds(g * 16, 16)]
            k16 = lax.shift_right_logical(idx16, 7)
            l16 = lax.bitwise_and(idx16, 127)
            d16 = zeros
            for d4 in range(dh // 4):
                vs = []
                for _ in range(4):
                    vs.append(plsc.load_gather(table_v, [d16, k16, l16]))
                    d16 = d16 + 1
                for j, v in enumerate(vs):
                    rows_v[d4 * 4 + j, pl.ds(g * 16, 16)] = v
            return carry

        lax.fori_loop(0, groups, body, 0)
        pltpu.sync_copy(rows_v, out_hbm.at[b, pl.ds(d0, dh)])

    return gather


def kernel(input, embed):
    b, t, c = input.shape
    input_t = jnp.swapaxes(input, 1, 2)
    ind3, loss_sum, table3 = _dist_argmin(input_t, embed)
    qpad = _make_gather(b)(table3, ind3)
    quantize = jnp.swapaxes(qpad[:, :, :t], 1, 2)
    loss = loss_sum * (_BETA / (b * t * c))
    return quantize, loss, ind3[:, 0, :t]

# --- scband reference (transcript-rebuilt; emitter-appended) ---
"""Pipeline reference for scband-quantize-55284819034574 (READ-ONLY COPY).

The authoritative reference and input builder live on the scoring server;
editing this copy changes nothing except your own understanding.
"""

import jax, jax.numpy as jnp
import numpy as np

DIM = 64
N_EMBED = 1024
BETA = 0.25


def setup_inputs(seed: int = 0) -> dict:
    key = jax.random.key(seed)
    k1, k2 = jax.random.split(key)
    inp = jax.random.normal(k1, (32, 576, DIM), dtype=jnp.float32)
    # embed buffer has shape (dim, n_embed), matching torch register_buffer
    embed = jax.random.normal(k2, (DIM, N_EMBED), dtype=jnp.float32)
    return {"input": inp, "embed": embed}


def reference(input, embed):
    # eval-mode forward of Quantize (EMA buffer updates are training-only)
    B, T, C = input.shape
    flatten = input.reshape(-1, DIM)
    dist = (
        jnp.sum(flatten ** 2, axis=1, keepdims=True)
        - 2.0 * flatten @ embed
        + jnp.sum(embed ** 2, axis=0, keepdims=True)
    )
    embed_ind = jnp.argmax(-dist, axis=1)
    embed_ind = embed_ind.reshape(input.shape[:-1])
    # F.embedding(embed_ind, embed.T) -> gather rows of embed.T
    quantize = jnp.take(embed.T, embed_ind, axis=0)
    loss = jnp.mean((jax.lax.stop_gradient(quantize) - input) ** 2) * BETA
    quantize = input + jax.lax.stop_gradient(quantize - input)
    return quantize, loss, embed_ind

if __name__ == "__main__":
    import jax
    _d = setup_inputs()
    print(jax.jit(kernel)(*tuple(_d.values())))

</pallas_src>

<mosaic_0001>
#map = affine_map<(d0, d1) -> (0, 0, 0)>
module attributes {stable_mosaic.version = 14 : i64} {
  func.func @gather(%arg0: i32, %arg1: i32, %arg2: memref<64x8x128xf32, #tpu.memory_space<hbm>>, %arg3: memref<32x1x640xi32, #tpu.memory_space<hbm>>, %arg4: memref<32x64x640xf32, #tpu.memory_space<hbm>>, %arg5: memref<64x8x128xf32, #tpu.memory_space<vmem>>, %arg6: memref<640xi32, #tpu.memory_space<vmem>>, %arg7: memref<64x640xf32, #tpu.memory_space<vmem>>, %arg8: memref<!tpu.dma_semaphore, #tpu.memory_space<semaphore_mem>>) attributes {dimension_semantics = [#tpu.dimension_semantics<core_parallel>, #tpu.dimension_semantics<subcore_parallel>], iteration_bounds = array<i64: 2, 16>, scalar_prefetch = 0 : i64, scratch_operands = 4 : i64, tpu.core_type = #tpu.core_type<sc_vector_subcore>, window_params = [{transform_indices = #map}, {transform_indices = #map}, {transform_indices = #map}]} {
    %mul3A = arith.constant 2 : i32
    %mul3A_0 = arith.muli %arg1, %mul3A : i32
    %add3A = arith.addi %mul3A_0, %arg0 : i32
    %jit3A = arith.constant 1 : i32
    %div3A = arith.divsi %add3A, %jit3A : i32
    %sign3A = arith.constant 0 : i32
    %sign3A_1 = arith.cmpi sgt, %add3A, %sign3A : i32
    %sign3A_2 = arith.extui %sign3A_1 : i1 to i32
    %sign3A_3 = arith.constant 0 : i32
    %sign3A_4 = arith.cmpi slt, %add3A, %sign3A_3 : i32
    %sign3A_5 = arith.extui %sign3A_4 : i1 to i32
    %sign3A_6 = arith.subi %sign3A_2, %sign3A_5 : i32
    %sign3A_7 = arith.constant 0 : i32
    %sign3A_8 = arith.cmpi sgt, %jit3A, %sign3A_7 : i32
    %sign3A_9 = arith.extui %sign3A_8 : i1 to i32
    %sign3A_10 = arith.constant 0 : i32
    %sign3A_11 = arith.cmpi slt, %jit3A, %sign3A_10 : i32
    %sign3A_12 = arith.extui %sign3A_11 : i1 to i32
    %sign3A_13 = arith.subi %sign3A_9, %sign3A_12 : i32
    %ne3A = arith.cmpi ne, %sign3A_6, %sign3A_13 : i32
    %rem3A = arith.remsi %add3A, %jit3A : i32
    %ne3A_14 = arith.constant 0 : i32
    %ne3A_15 = arith.cmpi ne, %rem3A, %ne3A_14 : i32
    %and3A = arith.andi %ne3A, %ne3A_15 : i1
    %sub3A = arith.constant 1 : i32
    %sub3A_16 = arith.subi %div3A, %sub3A : i32
    %select_n3A = arith.select %and3A, %sub3A_16, %div3A : i32
    %jit3A_17 = arith.constant 1 : i32
    %eq3A = arith.constant 0 : i32
    %eq3A_18 = arith.cmpi eq, %jit3A_17, %eq3A : i32
    %jit3A_19 = arith.constant 1 : i32
    %select_n3A_20 = arith.select %eq3A_18, %jit3A_19, %jit3A_17 : i32
    %rem3A_21 = arith.remsi %add3A, %select_n3A_20 : i32
    %ne3A_22 = arith.constant 0 : i32
    %ne3A_23 = arith.cmpi ne, %rem3A_21, %ne3A_22 : i32
    %lt3A = arith.constant 0 : i32
    %lt3A_24 = arith.cmpi slt, %rem3A_21, %lt3A : i32
    %lt3A_25 = arith.constant 0 : i32
    %lt3A_26 = arith.cmpi slt, %select_n3A_20, %lt3A_25 : i32
    %ne3A_27 = arith.xori %lt3A_24, %lt3A_26 : i1
    %and3A_28 = arith.andi %ne3A_27, %ne3A_23 : i1
    %add3A_29 = arith.addi %rem3A_21, %select_n3A_20 : i32
    %select_n3A_30 = arith.select %and3A_28, %add3A_29, %rem3A_21 : i32
    %mul3A_31 = arith.constant 64 : i32
    %mul3A_32 = arith.muli %select_n3A_30, %mul3A_31 : i32
    %dma_start3A = arith.constant 0 : i32
    %dma_start3A_33 = arith.constant 0 : i32
    %dma_start3A_34 = tpu.memref_slice %arg2[%mul3A_32, %dma_start3A, %dma_start3A_33] : memref<64x8x128xf32, #tpu.memory_space<hbm>> -> memref<64x8x128xf32, #tpu.memory_space<hbm>>
    %dma_start3A_35 = arith.constant 0 : i32
    %dma_start3A_36 = arith.constant 0 : i32
    %dma_start3A_37 = tpu.memref_slice %arg2[%mul3A_32, %dma_start3A_35, %dma_start3A_36] : memref<64x8x128xf32, #tpu.memory_space<hbm>> -> memref<64x8x128xf32, #tpu.memory_space<hbm>>
    tpu.enqueue_dma source(%dma_start3A_37 : memref<64x8x128xf32, #tpu.memory_space<hbm>>) target(%arg5 : memref<64x8x128xf32, #tpu.memory_space<vmem>>) target_semaphore(%arg8 : memref<!tpu.dma_semaphore, #tpu.memory_space<semaphore_mem>>)
    %run_scoped3A = arith.constant 0 : i32
    "tpu.region"() ({
      %run_scoped3A_51 = tpu.sem_alloc : memref<!tpu.dma_semaphore, #tpu.memory_space<semaphore_mem>>
      %dma_start3A_52 = arith.constant 0 : i32
      %dma_start3A_53 = tpu.memref_slice %arg3[%select_n3A, %run_scoped3A, %dma_start3A_52] : memref<32x1x640xi32, #tpu.memory_space<hbm>> -> memref<1x1x640xi32, #tpu.memory_space<hbm>>
      %dma_start3A_54 = tpu.memref_squeeze %dma_start3A_53 : memref<1x1x640xi32, #tpu.memory_space<hbm>> -> memref<640xi32, #tpu.memory_space<hbm>>
      %dma_start3A_55 = arith.constant 0 : i32
      %dma_start3A_56 = tpu.memref_slice %arg3[%select_n3A, %run_scoped3A, %dma_start3A_55] : memref<32x1x640xi32, #tpu.memory_space<hbm>> -> memref<1x1x640xi32, #tpu.memory_space<hbm>>
      %dma_start3A_57 = tpu.memref_squeeze %dma_start3A_56 : memref<1x1x640xi32, #tpu.memory_space<hbm>> -> memref<640xi32, #tpu.memory_space<hbm>>
      tpu.enqueue_dma source(%dma_start3A_57 : memref<640xi32, #tpu.memory_space<hbm>>) target(%arg6 : memref<640xi32, #tpu.memory_space<vmem>>) target_semaphore(%run_scoped3A_51 : memref<!tpu.dma_semaphore, #tpu.memory_space<semaphore_mem>>)
      %dma_wait3A_58 = arith.constant 0 : i32
      %dma_wait3A_59 = tpu.memref_slice %arg3[%select_n3A, %run_scoped3A, %dma_wait3A_58] : memref<32x1x640xi32, #tpu.memory_space<hbm>> -> memref<1x1x640xi32, #tpu.memory_space<hbm>>
      %dma_wait3A_60 = tpu.memref_squeeze %dma_wait3A_59 : memref<1x1x640xi32, #tpu.memory_space<hbm>> -> memref<640xi32, #tpu.memory_space<hbm>>
      %dma_wait3A_61 = arith.constant 0 : i32
      %dma_wait3A_62 = tpu.memref_slice %arg3[%select_n3A, %run_scoped3A, %dma_wait3A_61] : memref<32x1x640xi32, #tpu.memory_space<hbm>> -> memref<1x1x640xi32, #tpu.memory_space<hbm>>
      %dma_wait3A_63 = tpu.memref_squeeze %dma_wait3A_62 : memref<1x1x640xi32, #tpu.memory_space<hbm>> -> memref<640xi32, #tpu.memory_space<hbm>>
      tpu.wait_dma2 semaphore(%run_scoped3A_51 : memref<!tpu.dma_semaphore, #tpu.memory_space<semaphore_mem>>) src(%dma_wait3A_63 : memref<640xi32, #tpu.memory_space<hbm>>) dst(%arg6 : memref<640xi32, #tpu.memory_space<vmem>>)
      tpu.yield
    }) : () -> ()
    %dma_wait3A = arith.constant 0 : i32
    %dma_wait3A_38 = arith.constant 0 : i32
    %dma_wait3A_39 = tpu.memref_slice %arg2[%mul3A_32, %dma_wait3A, %dma_wait3A_38] : memref<64x8x128xf32, #tpu.memory_space<hbm>> -> memref<64x8x128xf32, #tpu.memory_space<hbm>>
    %dma_wait3A_40 = arith.constant 0 : i32
    %dma_wait3A_41 = arith.constant 0 : i32
    %dma_wait3A_42 = tpu.memref_slice %arg2[%mul3A_32, %dma_wait3A_40, %dma_wait3A_41] : memref<64x8x128xf32, #tpu.memory_space<hbm>> -> memref<64x8x128xf32, #tpu.memory_space<hbm>>
    tpu.wait_dma2 semaphore(%arg8 : memref<!tpu.dma_semaphore, #tpu.memory_space<semaphore_mem>>) src(%dma_wait3A_42 : memref<64x8x128xf32, #tpu.memory_space<hbm>>) dst(%arg5 : memref<64x8x128xf32, #tpu.memory_space<vmem>>)
    %iota3A = tpu.iota {dimensions = array<i32: 0>} : vector<16xi32>
    %mul3A_43 = arith.constant 0 : i32
    %mul3A_44 = vector.broadcast %mul3A_43 : i32 to vector<16xi32>
    %mul3A_45 = arith.muli %iota3A, %mul3A_44 : vector<16xi32>
    %scan3A = arith.constant 0 : i32
    %scan3A_46 = arith.constant 0 : i32
    %scan3A_47 = arith.constant 36 : i32
    %scan3A_48 = arith.addi %scan3A_46, %scan3A_47 : i32
    %scan3A_49 = arith.constant 1 : i32
    scf.for %scan3A_51 = %scan3A_46 to %scan3A_48 step %scan3A_49  : i32 {
      %mul3A_52 = arith.constant 16 : i32
      %mul3A_53 = arith.muli %scan3A_51, %mul3A_52 : i32
      %get3A = arith.index_cast %mul3A_53 : i32 to index
      %get3A_54 = tpu.vector_load %arg6[%get3A] {strides = array<i32>} : memref<640xi32, #tpu.memory_space<vmem>>, vector<16xi32>,
      %shift_right_logical3A = arith.constant 7 : i32
      %shift_right_logical3A_55 = vector.broadcast %shift_right_logical3A : i32 to vector<16xi32>
      %shift_right_logical3A_56 = arith.shrui %get3A_54, %shift_right_logical3A_55 : vector<16xi32>
      %and3A_57 = arith.constant 127 : i32
      %and3A_58 = vector.broadcast %and3A_57 : i32 to vector<16xi32>
      %and3A_59 = arith.andi %get3A_54, %and3A_58 : vector<16xi32>
      %gather3A = tpu.vector_load_idx %arg5[%mul3A_45, %shift_right_logical3A_56, %and3A_59] : memref<64x8x128xf32, #tpu.memory_space<vmem>>[vector<16xi32>, vector<16xi32>, vector<16xi32>], vector<16xf32>,
      %add3A_60 = arith.constant 1 : i32
      %add3A_61 = vector.broadcast %add3A_60 : i32 to vector<16xi32>
      %add3A_62 = arith.addi %mul3A_45, %add3A_61 : vector<16xi32>
      %gather3A_63 = tpu.vector_load_idx %arg5[%add3A_62, %shift_right_logical3A_56, %and3A_59] : memref<64x8x128xf32, #tpu.memory_space<vmem>>[vector<16xi32>, vector<16xi32>, vector<16xi32>], vector<16xf32>,
      %add3A_64 = arith.constant 1 : i32
      %add3A_65 = vector.broadcast %add3A_64 : i32 to vector<16xi32>
      %add3A_66 = arith.addi %add3A_62, %add3A_65 : vector<16xi32>
      %gather3A_67 = tpu.vector_load_idx %arg5[%add3A_66, %shift_right_logical3A_56, %and3A_59] : memref<64x8x128xf32, #tpu.memory_space<vmem>>[vector<16xi32>, vector<16xi32>, vector<16xi32>], vector<16xf32>,
      %add3A_68 = arith.constant 1 : i32
      %add3A_69 = vector.broadcast %add3A_68 : i32 to vector<16xi32>
      %add3A_70 = arith.addi %add3A_66, %add3A_69 : vector<16xi32>
      %gather3A_71 = tpu.vector_load_idx %arg5[%add3A_70, %shift_right_logical3A_56, %and3A_59] : memref<64x8x128xf32, #tpu.memory_space<vmem>>[vector<16xi32>, vector<16xi32>, vector<16xi32>], vector<16xf32>,
      %add3A_72 = arith.constant 1 : i32
      %add3A_73 = vector.broadcast %add3A_72 : i32 to vector<16xi32>
      %add3A_74 = arith.addi %add3A_70, %add3A_73 : vector<16xi32>
      %mul3A_75 = arith.constant 16 : i32
      %mul3A_76 = arith.muli %scan3A_51, %mul3A_75 : i32
      %swap3A = arith.constant 0 : i32
      %swap3A_77 = arith.index_cast %swap3A : i32 to index
      %swap3A_78 = arith.index_cast %mul3A_76 : i32 to index
      %swap3A_79 = tpu.vector_load %arg7[%swap3A_77, %swap3A_78] {strides = array<i32>} : memref<64x640xf32, #tpu.memory_space<vmem>>, vector<16xf32>,
      tpu.vector_store %arg7[%swap3A_77, %swap3A_78], %gather3A {strides = array<i32>} : memref<64x640xf32, #tpu.memory_space<vmem>>, vector<16xf32>,
      %mul3A_80 = arith.constant 16 : i32
      %mul3A_81 = arith.muli %scan3A_51, %mul3A_80 : i32
      %swap3A_82 = arith.constant 1 : i32
      %swap3A_83 = arith.index_cast %swap3A_82 : i32 to index
      %swap3A_84 = arith.index_cast %mul3A_81 : i32 to index
      %swap3A_85 = tpu.vector_load %arg7[%swap3A_83, %swap3A_84] {strides = array<i32>} : memref<64x640xf32, #tpu.memory_space<vmem>>, vector<16xf32>,
      tpu.vector_store %arg7[%swap3A_83, %swap3A_84], %gather3A_63 {strides = array<i32>} : memref<64x640xf32, #tpu.memory_space<vmem>>, vector<16xf32>,
      %mul3A_86 = arith.constant 16 : i32
      %mul3A_87 = arith.muli %scan3A_51, %mul3A_86 : i32
      %swap3A_88 = arith.constant 2 : i32
      %swap3A_89 = arith.index_cast %swap3A_88 : i32 to index
      %swap3A_90 = arith.index_cast %mul3A_87 : i32 to index
      %swap3A_91 = tpu.vector_load %arg7[%swap3A_89, %swap3A_90] {strides = array<i32>} : memref<64x640xf32, #tpu.memory_space<vmem>>, vector<16xf32>,
      tpu.vector_store %arg7[%swap3A_89, %swap3A_90], %gather3A_67 {strides = array<i32>} : memref<64x640xf32, #tpu.memory_space<vmem>>, vector<16xf32>,
      %mul3A_92 = arith.constant 16 : i32
      %mul3A_93 = arith.muli %scan3A_51, %mul3A_92 : i32
      %swap3A_94 = arith.constant 3 : i32
      %swap3A_95 = arith.index_cast %swap3A_94 : i32 to index
      %swap3A_96 = arith.index_cast %mul3A_93 : i32 to index
      %swap3A_97 = tpu.vector_load %arg7[%swap3A_95, %swap3A_96] {strides = array<i32>} : memref<64x640xf32, #tpu.memory_space<vmem>>, vector<16xf32>,
      tpu.vector_store %arg7[%swap3A_95, %swap3A_96], %gather3A_71 {strides = array<i32>} : memref<64x640xf32, #tpu.memory_space<vmem>>, vector<16xf32>,
      %gather3A_98 = tpu.vector_load_idx %arg5[%add3A_74, %shift_right_logical3A_56, %and3A_59] : memref<64x8x128xf32, #tpu.memory_space<vmem>>[vector<16xi32>, vector<16xi32>, vector<16xi32>], vector<16xf32>,
      %add3A_99 = arith.constant 1 : i32
      %add3A_100 = vector.broadcast %add3A_99 : i32 to vector<16xi32>
      %add3A_101 = arith.addi %add3A_74, %add3A_100 : vector<16xi32>
      %gather3A_102 = tpu.vector_load_idx %arg5[%add3A_101, %shift_right_logical3A_56, %and3A_59] : memref<64x8x128xf32, #tpu.memory_space<vmem>>[vector<16xi32>, vector<16xi32>, vector<16xi32>], vector<16xf32>,
      %add3A_103 = arith.constant 1 : i32
      %add3A_104 = vector.broadcast %add3A_103 : i32 to vector<16xi32>
      %add3A_105 = arith.addi %add3A_101, %add3A_104 : vector<16xi32>
      %gather3A_106 = tpu.vector_load_idx %arg5[%add3A_105, %shift_right_logical3A_56, %and3A_59] : memref<64x8x128xf32, #tpu.memory_space<vmem>>[vector<16xi32>, vector<16xi32>, vector<16xi32>], vector<16xf32>,
      %add3A_107 = arith.constant 1 : i32
      %add3A_108 = vector.broadcast %add3A_107 : i32 to vector<16xi32>
      %add3A_109 = arith.addi %add3A_105, %add3A_108 : vector<16xi32>
      %gather3A_110 = tpu.vector_load_idx %arg5[%add3A_109, %shift_right_logical3A_56, %and3A_59] : memref<64x8x128xf32, #tpu.memory_space<vmem>>[vector<16xi32>, vector<16xi32>, vector<16xi32>], vector<16xf32>,
      %add3A_111 = arith.constant 1 : i32
      %add3A_112 = vector.broadcast %add3A_111 : i32 to vector<16xi32>
      %add3A_113 = arith.addi %add3A_109, %add3A_112 : vector<16xi32>
      %mul3A_114 = arith.constant 16 : i32
      %mul3A_115 = arith.muli %scan3A_51, %mul3A_114 : i32
      %swap3A_116 = arith.constant 4 : i32
      %swap3A_117 = arith.index_cast %swap3A_116 : i32 to index
      %swap3A_118 = arith.index_cast %mul3A_115 : i32 to index
      %swap3A_119 = tpu.vector_load %arg7[%swap3A_117, %swap3A_118] {strides = array<i32>} : memref<64x640xf32, #tpu.memory_space<vmem>>, vector<16xf32>,
      tpu.vector_store %arg7[%swap3A_117, %swap3A_118], %gather3A_98 {strides = array<i32>} : memref<64x640xf32, #tpu.memory_space<vmem>>, vector<16xf32>,
      %mul3A_120 = arith.constant 16 : i32
      %mul3A_121 = arith.muli %scan3A_51, %mul3A_120 : i32
      %swap3A_122 = arith.constant 5 : i32
      %swap3A_123 = arith.index_cast %swap3A_122 : i32 to index
      %swap3A_124 = arith.index_cast %mul3A_121 : i32 to index
      %swap3A_125 = tpu.vector_load %arg7[%swap3A_123, %swap3A_124] {strides = array<i32>} : memref<64x640xf32, #tpu.memory_space<vmem>>, vector<16xf32>,
      tpu.vector_store %arg7[%swap3A_123, %swap3A_124], %gather3A_102 {strides = array<i32>} : memref<64x640xf32, #tpu.memory_space<vmem>>, vector<16xf32>,
      %mul3A_126 = arith.constant 16 : i32
      %mul3A_127 = arith.muli %scan3A_51, %mul3A_126 : i32
      %swap3A_128 = arith.constant 6 : i32
      %swap3A_129 = arith.index_cast %swap3A_128 : i32 to index
      %swap3A_130 = arith.index_cast %mul3A_127 : i32 to index
      %swap3A_131 = tpu.vector_load %arg7[%swap3A_129, %swap3A_130] {strides = array<i32>} : memref<64x640xf32, #tpu.memory_space<vmem>>, vector<16xf32>,
      tpu.vector_store %arg7[%swap3A_129, %swap3A_130], %gather3A_106 {strides = array<i32>} : memref<64x640xf32, #tpu.memory_space<vmem>>, vector<16xf32>,
      %mul3A_132 = arith.constant 16 : i32
      %mul3A_133 = arith.muli %scan3A_51, %mul3A_132 : i32
      %swap3A_134 = arith.constant 7 : i32
      %swap3A_135 = arith.index_cast %swap3A_134 : i32 to index
      %swap3A_136 = arith.index_cast %mul3A_133 : i32 to index
      %swap3A_137 = tpu.vector_load %arg7[%swap3A_135, %swap3A_136] {strides = array<i32>} : memref<64x640xf32, #tpu.memory_space<vmem>>, vector<16xf32>,
      tpu.vector_store %arg7[%swap3A_135, %swap3A_136], %gather3A_110 {strides = array<i32>} : memref<64x640xf32, #tpu.memory_space<vmem>>, vector<16xf32>,
      %gather3A_138 = tpu.vector_load_idx %arg5[%add3A_113, %shift_right_logical3A_56, %and3A_59] : memref<64x8x128xf32, #tpu.memory_space<vmem>>[vector<16xi32>, vector<16xi32>, vector<16xi32>], vector<16xf32>,
      %add3A_139 = arith.constant 1 : i32
      %add3A_140 = vector.broadcast %add3A_139 : i32 to vector<16xi32>
      %add3A_141 = arith.addi %add3A_113, %add3A_140 : vector<16xi32>
      %gather3A_142 = tpu.vector_load_idx %arg5[%add3A_141, %shift_right_logical3A_56, %and3A_59] : memref<64x8x128xf32, #tpu.memory_space<vmem>>[vector<16xi32>, vector<16xi32>, vector<16xi32>], vector<16xf32>,
      %add3A_143 = arith.constant 1 : i32
      %add3A_144 = vector.broadcast %add3A_143 : i32 to vector<16xi32>
      %add3A_145 = arith.addi %add3A_141, %add3A_144 : vector<16xi32>
      %gather3A_146 = tpu.vector_load_idx %arg5[%add3A_145, %shift_right_logical3A_56, %and3A_59] : memref<64x8x128xf32, #tpu.memory_space<vmem>>[vector<16xi32>, vector<16xi32>, vector<16xi32>], vector<16xf32>,
      %add3A_147 = arith.constant 1 : i32
      %add3A_148 = vector.broadcast %add3A_147 : i32 to vector<16xi32>
      %add3A_149 = arith.addi %add3A_145, %add3A_148 : vector<16xi32>
      %gather3A_150 = tpu.vector_load_idx %arg5[%add3A_149, %shift_right_logical3A_56, %and3A_59] : memref<64x8x128xf32, #tpu.memory_space<vmem>>[vector<16xi32>, vector<16xi32>, vector<16xi32>], vector<16xf32>,
      %add3A_151 = arith.constant 1 : i32
      %add3A_152 = vector.broadcast %add3A_151 : i32 to vector<16xi32>
      %add3A_153 = arith.addi %add3A_149, %add3A_152 : vector<16xi32>
      %mul3A_154 = arith.constant 16 : i32
      %mul3A_155 = arith.muli %scan3A_51, %mul3A_154 : i32
      %swap3A_156 = arith.constant 8 : i32
      %swap3A_157 = arith.index_cast %swap3A_156 : i32 to index
      %swap3A_158 = arith.index_cast %mul3A_155 : i32 to index
      %swap3A_159 = tpu.vector_load %arg7[%swap3A_157, %swap3A_158] {strides = array<i32>} : memref<64x640xf32, #tpu.memory_space<vmem>>, vector<16xf32>,
      tpu.vector_store %arg7[%swap3A_157, %swap3A_158], %gather3A_138 {strides = array<i32>} : memref<64x640xf32, #tpu.memory_space<vmem>>, vector<16xf32>,
      %mul3A_160 = arith.constant 16 : i32
      %mul3A_161 = arith.muli %scan3A_51, %mul3A_160 : i32
      %swap3A_162 = arith.constant 9 : i32
      %swap3A_163 = arith.index_cast %swap3A_162 : i32 to index
      %swap3A_164 = arith.index_cast %mul3A_161 : i32 to index
      %swap3A_165 = tpu.vector_load %arg7[%swap3A_163, %swap3A_164] {strides = array<i32>} : memref<64x640xf32, #tpu.memory_space<vmem>>, vector<16xf32>,
      tpu.vector_store %arg7[%swap3A_163, %swap3A_164], %gather3A_142 {strides = array<i32>} : memref<64x640xf32, #tpu.memory_space<vmem>>, vector<16xf32>,
      %mul3A_166 = arith.constant 16 : i32
      %mul3A_167 = arith.muli %scan3A_51, %mul3A_166 : i32
      %swap3A_168 = arith.constant 10 : i32
      %swap3A_169 = arith.index_cast %swap3A_168 : i32 to index
      %swap3A_170 = arith.index_cast %mul3A_167 : i32 to index
      %swap3A_171 = tpu.vector_load %arg7[%swap3A_169, %swap3A_170] {strides = array<i32>} : memref<64x640xf32, #tpu.memory_space<vmem>>, vector<16xf32>,
      tpu.vector_store %arg7[%swap3A_169, %swap3A_170], %gather3A_146 {strides = array<i32>} : memref<64x640xf32, #tpu.memory_space<vmem>>, vector<16xf32>,
      %mul3A_172 = arith.constant 16 : i32
      %mul3A_173 = arith.muli %scan3A_51, %mul3A_172 : i32
      %swap3A_174 = arith.constant 11 : i32
      %swap3A_175 = arith.index_cast %swap3A_174 : i32 to index
      %swap3A_176 = arith.index_cast %mul3A_173 : i32 to index
      %swap3A_177 = tpu.vector_load %arg7[%swap3A_175, %swap3A_176] {strides = array<i32>} : memref<64x640xf32, #tpu.memory_space<vmem>>, vector<16xf32>,
      tpu.vector_store %arg7[%swap3A_175, %swap3A_176], %gather3A_150 {strides = array<i32>} : memref<64x640xf32, #tpu.memory_space<vmem>>, vector<16xf32>,
      %gather3A_178 = tpu.vector_load_idx %arg5[%add3A_153, %shift_right_logical3A_56, %and3A_59] : memref<64x8x128xf32, #tpu.memory_space<vmem>>[vector<16xi32>, vector<16xi32>, vector<16xi32>], vector<16xf32>,
      %add3A_179 = arith.constant 1 : i32
      %add3A_180 = vector.broadcast %add3A_179 : i32 to vector<16xi32>
      %add3A_181 = arith.addi %add3A_153, %add3A_180 : vector<16xi32>
      %gather3A_182 = tpu.vector_load_idx %arg5[%add3A_181, %shift_right_logical3A_56, %and3A_59] : memref<64x8x128xf32, #tpu.memory_space<vmem>>[vector<16xi32>, vector<16xi32>, vector<16xi32>], vector<16xf32>,
      %add3A_183 = arith.constant 1 : i32
      %add3A_184 = vector.broadcast %add3A_183 : i32 to vector<16xi32>
      %add3A_185 = arith.addi %add3A_181, %add3A_184 : vector<16xi32>
      %gather3A_186 = tpu.vector_load_idx %arg5[%add3A_185, %shift_right_logical3A_56, %and3A_59] : memref<64x8x128xf32, #tpu.memory_space<vmem>>[vector<16xi32>, vector<16xi32>, vector<16xi32>], vector<16xf32>,
      %add3A_187 = arith.constant 1 : i32
      %add3A_188 = vector.broadcast %add3A_187 : i32 to vector<16xi32>
      %add3A_189 = arith.addi %add3A_185, %add3A_188 : vector<16xi32>
      %gather3A_190 = tpu.vector_load_idx %arg5[%add3A_189, %shift_right_logical3A_56, %and3A_59] : memref<64x8x128xf32, #tpu.memory_space<vmem>>[vector<16xi32>, vector<16xi32>, vector<16xi32>], vector<16xf32>,
      %add3A_191 = arith.constant 1 : i32
      %add3A_192 = vector.broadcast %add3A_191 : i32 to vector<16xi32>
      %add3A_193 = arith.addi %add3A_189, %add3A_192 : vector<16xi32>
      %mul3A_194 = arith.constant 16 : i32
      %mul3A_195 = arith.muli %scan3A_51, %mul3A_194 : i32
      %swap3A_196 = arith.constant 12 : i32
      %swap3A_197 = arith.index_cast %swap3A_196 : i32 to index
      %swap3A_198 = arith.index_cast %mul3A_195 : i32 to index
      %swap3A_199 = tpu.vector_load %arg7[%swap3A_197, %swap3A_198] {strides = array<i32>} : memref<64x640xf32, #tpu.memory_space<vmem>>, vector<16xf32>,
      tpu.vector_store %arg7[%swap3A_197, %swap3A_198], %gather3A_178 {strides = array<i32>} : memref<64x640xf32, #tpu.memory_space<vmem>>, vector<16xf32>,
      %mul3A_200 = arith.constant 16 : i32
      %mul3A_201 = arith.muli %scan3A_51, %mul3A_200 : i32
      %swap3A_202 = arith.constant 13 : i32
      %swap3A_203 = arith.index_cast %swap3A_202 : i32 to index
      %swap3A_204 = arith.index_cast %mul3A_201 : i32 to index
      %swap3A_205 = tpu.vector_load %arg7[%swap3A_203, %swap3A_204] {strides = array<i32>} : memref<64x640xf32, #tpu.memory_space<vmem>>, vector<16xf32>,
      tpu.vector_store %arg7[%swap3A_203, %swap3A_204], %gather3A_182 {strides = array<i32>} : memref<64x640xf32, #tpu.memory_space<vmem>>, vector<16xf32>,
      %mul3A_206 = arith.constant 16 : i32
      %mul3A_207 = arith.muli %scan3A_51, %mul3A_206 : i32
      %swap3A_208 = arith.constant 14 : i32
      %swap3A_209 = arith.index_cast %swap3A_208 : i32 to index
      %swap3A_210 = arith.index_cast %mul3A_207 : i32 to index
      %swap3A_211 = tpu.vector_load %arg7[%swap3A_209, %swap3A_210] {strides = array<i32>} : memref<64x640xf32, #tpu.memory_space<vmem>>, vector<16xf32>,
      tpu.vector_store %arg7[%swap3A_209, %swap3A_210], %gather3A_186 {strides = array<i32>} : memref<64x640xf32, #tpu.memory_space<vmem>>, vector<16xf32>,
      %mul3A_212 = arith.constant 16 : i32
      %mul3A_213 = arith.muli %scan3A_51, %mul3A_212 : i32
      %swap3A_214 = arith.constant 15 : i32
      %swap3A_215 = arith.index_cast %swap3A_214 : i32 to index
      %swap3A_216 = arith.index_cast %mul3A_213 : i32 to index
      %swap3A_217 = tpu.vector_load %arg7[%swap3A_215, %swap3A_216] {strides = array<i32>} : memref<64x640xf32, #tpu.memory_space<vmem>>, vector<16xf32>,
      tpu.vector_store %arg7[%swap3A_215, %swap3A_216], %gather3A_190 {strides = array<i32>} : memref<64x640xf32, #tpu.memory_space<vmem>>, vector<16xf32>,
      %gather3A_218 = tpu.vector_load_idx %arg5[%add3A_193, %shift_right_logical3A_56, %and3A_59] : memref<64x8x128xf32, #tpu.memory_space<vmem>>[vector<16xi32>, vector<16xi32>, vector<16xi32>], vector<16xf32>,
      %add3A_219 = arith.constant 1 : i32
      %add3A_220 = vector.broadcast %add3A_219 : i32 to vector<16xi32>
      %add3A_221 = arith.addi %add3A_193, %add3A_220 : vector<16xi32>
      %gather3A_222 = tpu.vector_load_idx %arg5[%add3A_221, %shift_right_logical3A_56, %and3A_59] : memref<64x8x128xf32, #tpu.memory_space<vmem>>[vector<16xi32>, vector<16xi32>, vector<16xi32>], vector<16xf32>,
      %add3A_223 = arith.constant 1 : i32
      %add3A_224 = vector.broadcast %add3A_223 : i32 to vector<16xi32>
      %add3A_225 = arith.addi %add3A_221, %add3A_224 : vector<16xi32>
      %gather3A_226 = tpu.vector_load_idx %arg5[%add3A_225, %shift_right_logical3A_56, %and3A_59] : memref<64x8x128xf32, #tpu.memory_space<vmem>>[vector<16xi32>, vector<16xi32>, vector<16xi32>], vector<16xf32>,
      %add3A_227 = arith.constant 1 : i32
      %add3A_228 = vector.broadcast %add3A_227 : i32 to vector<16xi32>
      %add3A_229 = arith.addi %add3A_225, %add3A_228 : vector<16xi32>
      %gather3A_230 = tpu.vector_load_idx %arg5[%add3A_229, %shift_right_logical3A_56, %and3A_59] : memref<64x8x128xf32, #tpu.memory_space<vmem>>[vector<16xi32>, vector<16xi32>, vector<16xi32>], vector<16xf32>,
      %add3A_231 = arith.constant 1 : i32
      %add3A_232 = vector.broadcast %add3A_231 : i32 to vector<16xi32>
      %add3A_233 = arith.addi %add3A_229, %add3A_232 : vector<16xi32>
      %mul3A_234 = arith.constant 16 : i32
      %mul3A_235 = arith.muli %scan3A_51, %mul3A_234 : i32
      %swap3A_236 = arith.constant 16 : i32
      %swap3A_237 = arith.index_cast %swap3A_236 : i32 to index
      %swap3A_238 = arith.index_cast %mul3A_235 : i32 to index
      %swap3A_239 = tpu.vector_load %arg7[%swap3A_237, %swap3A_238] {strides = array<i32>} : memref<64x640xf32, #tpu.memory_space<vmem>>, vector<16xf32>,
      tpu.vector_store %arg7[%swap3A_237, %swap3A_238], %gather3A_218 {strides = array<i32>} : memref<64x640xf32, #tpu.memory_space<vmem>>, vector<16xf32>,
      %mul3A_240 = arith.constant 16 : i32
      %mul3A_241 = arith.muli %scan3A_51, %mul3A_240 : i32
      %swap3A_242 = arith.constant 17 : i32
      %swap3A_243 = arith.index_cast %swap3A_242 : i32 to index
      %swap3A_244 = arith.index_cast %mul3A_241 : i32 to index
      %swap3A_245 = tpu.vector_load %arg7[%swap3A_243, %swap3A_244] {strides = array<i32>} : memref<64x640xf32, #tpu.memory_space<vmem>>, vector<16xf32>,
      tpu.vector_store %arg7[%swap3A_243, %swap3A_244], %gather3A_222 {strides = array<i32>} : memref<64x640xf32, #tpu.memory_space<vmem>>, vector<16xf32>,
      %mul3A_246 = arith.constant 16 : i32
      %mul3A_247 = arith.muli %scan3A_51, %mul3A_246 : i32
      %swap3A_248 = arith.constant 18 : i32
      %swap3A_249 = arith.index_cast %swap3A_248 : i32 to index
      %swap3A_250 = arith.index_cast %mul3A_247 : i32 to index
      %swap3A_251 = tpu.vector_load %arg7[%swap3A_249, %swap3A_250] {strides = array<i32>} : memref<64x640xf32, #tpu.memory_space<vmem>>, vector<16xf32>,
      tpu.vector_store %arg7[%swap3A_249, %swap3A_250], %gather3A_226 {strides = array<i32>} : memref<64x640xf32, #tpu.memory_space<vmem>>, vector<16xf32>,
      %mul3A_252 = arith.constant 16 : i32
      %mul3A_253 = arith.muli %scan3A_51, %mul3A_252 : i32
      %swap3A_254 = arith.constant 19 : i32
      %swap3A_255 = arith.index_cast %swap3A_254 : i32 to index
      %swap3A_256 = arith.index_cast %mul3A_253 : i32 to index
      %swap3A_257 = tpu.vector_load %arg7[%swap3A_255, %swap3A_256] {strides = array<i32>} : memref<64x640xf32, #tpu.memory_space<vmem>>, vector<16xf32>,
      tpu.vector_store %arg7[%swap3A_255, %swap3A_256], %gather3A_230 {strides = array<i32>} : memref<64x640xf32, #tpu.memory_space<vmem>>, vector<16xf32>,
      %gather3A_258 = tpu.vector_load_idx %arg5[%add3A_233, %shift_right_logical3A_56, %and3A_59] : memref<64x8x128xf32, #tpu.memory_space<vmem>>[vector<16xi32>, vector<16xi32>, vector<16xi32>], vector<16xf32>,
      %add3A_259 = arith.constant 1 : i32
      %add3A_260 = vector.broadcast %add3A_259 : i32 to vector<16xi32>
      %add3A_261 = arith.addi %add3A_233, %add3A_260 : vector<16xi32>
      %gather3A_262 = tpu.vector_load_idx %arg5[%add3A_261, %shift_right_logical3A_56, %and3A_59] : memref<64x8x128xf32, #tpu.memory_space<vmem>>[vector<16xi32>, vector<16xi32>, vector<16xi32>], vector<16xf32>,
      %add3A_263 = arith.constant 1 : i32
      %add3A_264 = vector.broadcast %add3A_263 : i32 to vector<16xi32>
      %add3A_265 = arith.addi %add3A_261, %add3A_264 : vector<16xi32>
      %gather3A_266 = tpu.vector_load_idx %arg5[%add3A_265, %shift_right_logical3A_56, %and3A_59] : memref<64x8x128xf32, #tpu.memory_space<vmem>>[vector<16xi32>, vector<16xi32>, vector<16xi32>], vector<16xf32>,
      %add3A_267 = arith.constant 1 : i32
      %add3A_268 = vector.broadcast %add3A_267 : i32 to vector<16xi32>
      %add3A_269 = arith.addi %add3A_265, %add3A_268 : vector<16xi32>
      %gather3A_270 = tpu.vector_load_idx %arg5[%add3A_269, %shift_right_logical3A_56, %and3A_59] : memref<64x8x128xf32, #tpu.memory_space<vmem>>[vector<16xi32>, vector<16xi32>, vector<16xi32>], vector<16xf32>,
      %add3A_271 = arith.constant 1 : i32
      %add3A_272 = vector.broadcast %add3A_271 : i32 to vector<16xi32>
      %add3A_273 = arith.addi %add3A_269, %add3A_272 : vector<16xi32>
      %mul3A_274 = arith.constant 16 : i32
      %mul3A_275 = arith.muli %scan3A_51, %mul3A_274 : i32
      %swap3A_276 = arith.constant 20 : i32
      %swap3A_277 = arith.index_cast %swap3A_276 : i32 to index
      %swap3A_278 = arith.index_cast %mul3A_275 : i32 to index
      %swap3A_279 = tpu.vector_load %arg7[%swap3A_277, %swap3A_278] {strides = array<i32>} : memref<64x640xf32, #tpu.memory_space<vmem>>, vector<16xf32>,
      tpu.vector_store %arg7[%swap3A_277, %swap3A_278], %gather3A_258 {strides = array<i32>} : memref<64x640xf32, #tpu.memory_space<vmem>>, vector<16xf32>,
      %mul3A_280 = arith.constant 16 : i32
      %mul3A_281 = arith.muli %scan3A_51, %mul3A_280 : i32
      %swap3A_282 = arith.constant 21 : i32
      %swap3A_283 = arith.index_cast %swap3A_282 : i32 to index
      %swap3A_284 = arith.index_cast %mul3A_281 : i32 to index
      %swap3A_285 = tpu.vector_load %arg7[%swap3A_283, %swap3A_284] {strides = array<i32>} : memref<64x640xf32, #tpu.memory_space<vmem>>, vector<16xf32>,
      tpu.vector_store %arg7[%swap3A_283, %swap3A_284], %gather3A_262 {strides = array<i32>} : memref<64x640xf32, #tpu.memory_space<vmem>>, vector<16xf32>,
      %mul3A_286 = arith.constant 16 : i32
      %mul3A_287 = arith.muli %scan3A_51, %mul3A_286 : i32
      %swap3A_288 = arith.constant 22 : i32
      %swap3A_289 = arith.index_cast %swap3A_288 : i32 to index
      %swap3A_290 = arith.index_cast %mul3A_287 : i32 to index
      %swap3A_291 = tpu.vector_load %arg7[%swap3A_289, %swap3A_290] {strides = array<i32>} : memref<64x640xf32, #tpu.memory_space<vmem>>, vector<16xf32>,
      tpu.vector_store %arg7[%swap3A_289, %swap3A_290], %gather3A_266 {strides = array<i32>} : memref<64x640xf32, #tpu.memory_space<vmem>>, vector<16xf32>,
      %mul3A_292 = arith.constant 16 : i32
      %mul3A_293 = arith.muli %scan3A_51, %mul3A_292 : i32
      %swap3A_294 = arith.constant 23 : i32
      %swap3A_295 = arith.index_cast %swap3A_294 : i32 to index
      %swap3A_296 = arith.index_cast %mul3A_293 : i32 to index
      %swap3A_297 = tpu.vector_load %arg7[%swap3A_295, %swap3A_296] {strides = array<i32>} : memref<64x640xf32, #tpu.memory_space<vmem>>, vector<16xf32>,
      tpu.vector_store %arg7[%swap3A_295, %swap3A_296], %gather3A_270 {strides = array<i32>} : memref<64x640xf32, #tpu.memory_space<vmem>>, vector<16xf32>,
      %gather3A_298 = tpu.vector_load_idx %arg5[%add3A_273, %shift_right_logical3A_56, %and3A_59] : memref<64x8x128xf32, #tpu.memory_space<vmem>>[vector<16xi32>, vector<16xi32>, vector<16xi32>], vector<16xf32>,
      %add3A_299 = arith.constant 1 : i32
      %add3A_300 = vector.broadcast %add3A_299 : i32 to vector<16xi32>
      %add3A_301 = arith.addi %add3A_273, %add3A_300 : vector<16xi32>
      %gather3A_302 = tpu.vector_load_idx %arg5[%add3A_301, %shift_right_logical3A_56, %and3A_59] : memref<64x8x128xf32, #tpu.memory_space<vmem>>[vector<16xi32>, vector<16xi32>, vector<16xi32>], vector<16xf32>,
      %add3A_303 = arith.constant 1 : i32
      %add3A_304 = vector.broadcast %add3A_303 : i32 to vector<16xi32>
      %add3A_305 = arith.addi %add3A_301, %add3A_304 : vector<16xi32>
      %gather3A_306 = tpu.vector_load_idx %arg5[%add3A_305, %shift_right_logical3A_56, %and3A_59] : memref<64x8x128xf32, #tpu.memory_space<vmem>>[vector<16xi32>, vector<16xi32>, vector<16xi32>], vector<16xf32>,
      %add3A_307 = arith.constant 1 : i32
      %add3A_308 = vector.broadcast %add3A_307 : i32 to vector<16xi32>
      %add3A_309 = arith.addi %add3A_305, %add3A_308 : vector<16xi32>
      %gather3A_310 = tpu.vector_load_idx %arg5[%add3A_309, %shift_right_logical3A_56, %and3A_59] : memref<64x8x128xf32, #tpu.memory_space<vmem>>[vector<16xi32>, vector<16xi32>, vector<16xi32>], vector<16xf32>,
      %add3A_311 = arith.constant 1 : i32
      %add3A_312 = vector.broadcast %add3A_311 : i32 to vector<16xi32>
      %add3A_313 = arith.addi %add3A_309, %add3A_312 : vector<16xi32>
      %mul3A_314 = arith.constant 16 : i32
      %mul3A_315 = arith.muli %scan3A_51, %mul3A_314 : i32
      %swap3A_316 = arith.constant 24 : i32
      %swap3A_317 = arith.index_cast %swap3A_316 : i32 to index
      %swap3A_318 = arith.index_cast %mul3A_315 : i32 to index
      %swap3A_319 = tpu.vector_load %arg7[%swap3A_317, %swap3A_318] {strides = array<i32>} : memref<64x640xf32, #tpu.memory_space<vmem>>, vector<16xf32>,
      tpu.vector_store %arg7[%swap3A_317, %swap3A_318], %gather3A_298 {strides = array<i32>} : memref<64x640xf32, #tpu.memory_space<vmem>>, vector<16xf32>,
      %mul3A_320 = arith.constant 16 : i32
      %mul3A_321 = arith.muli %scan3A_51, %mul3A_320 : i32
      %swap3A_322 = arith.constant 25 : i32
      %swap3A_323 = arith.index_cast %swap3A_322 : i32 to index
      %swap3A_324 = arith.index_cast %mul3A_321 : i32 to index
      %swap3A_325 = tpu.vector_load %arg7[%swap3A_323, %swap3A_324] {strides = array<i32>} : memref<64x640xf32, #tpu.memory_space<vmem>>, vector<16xf32>,
      tpu.vector_store %arg7[%swap3A_323, %swap3A_324], %gather3A_302 {strides = array<i32>} : memref<64x640xf32, #tpu.memory_space<vmem>>, vector<16xf32>,
      %mul3A_326 = arith.constant 16 : i32
      %mul3A_327 = arith.muli %scan3A_51, %mul3A_326 : i32
      %swap3A_328 = arith.constant 26 : i32
      %swap3A_329 = arith.index_cast %swap3A_328 : i32 to index
      %swap3A_330 = arith.index_cast %mul3A_327 : i32 to index
      %swap3A_331 = tpu.vector_load %arg7[%swap3A_329, %swap3A_330] {strides = array<i32>} : memref<64x640xf32, #tpu.memory_space<vmem>>, vector<16xf32>,
      tpu.vector_store %arg7[%swap3A_329, %swap3A_330], %gather3A_306 {strides = array<i32>} : memref<64x640xf32, #tpu.memory_space<vmem>>, vector<16xf32>,
      %mul3A_332 = arith.constant 16 : i32
      %mul3A_333 = arith.muli %scan3A_51, %mul3A_332 : i32
      %swap3A_334 = arith.constant 27 : i32
      %swap3A_335 = arith.index_cast %swap3A_334 : i32 to index
      %swap3A_336 = arith.index_cast %mul3A_333 : i32 to index
      %swap3A_337 = tpu.vector_load %arg7[%swap3A_335, %swap3A_336] {strides = array<i32>} : memref<64x640xf32, #tpu.memory_space<vmem>>, vector<16xf32>,
      tpu.vector_store %arg7[%swap3A_335, %swap3A_336], %gather3A_310 {strides = array<i32>} : memref<64x640xf32, #tpu.memory_space<vmem>>, vector<16xf32>,
      %gather3A_338 = tpu.vector_load_idx %arg5[%add3A_313, %shift_right_logical3A_56, %and3A_59] : memref<64x8x128xf32, #tpu.memory_space<vmem>>[vector<16xi32>, vector<16xi32>, vector<16xi32>], vector<16xf32>,
      %add3A_339 = arith.constant 1 : i32
      %add3A_340 = vector.broadcast %add3A_339 : i32 to vector<16xi32>
      %add3A_341 = arith.addi %add3A_313, %add3A_340 : vector<16xi32>
      %gather3A_342 = tpu.vector_load_idx %arg5[%add3A_341, %shift_right_logical3A_56, %and3A_59] : memref<64x8x128xf32, #tpu.memory_space<vmem>>[vector<16xi32>, vector<16xi32>, vector<16xi32>], vector<16xf32>,
      %add3A_343 = arith.constant 1 : i32
      %add3A_344 = vector.broadcast %add3A_343 : i32 to vector<16xi32>
      %add3A_345 = arith.addi %add3A_341, %add3A_344 : vector<16xi32>
      %gather3A_346 = tpu.vector_load_idx %arg5[%add3A_345, %shift_right_logical3A_56, %and3A_59] : memref<64x8x128xf32, #tpu.memory_space<vmem>>[vector<16xi32>, vector<16xi32>, vector<16xi32>], vector<16xf32>,
      %add3A_347 = arith.constant 1 : i32
      %add3A_348 = vector.broadcast %add3A_347 : i32 to vector<16xi32>
      %add3A_349 = arith.addi %add3A_345, %add3A_348 : vector<16xi32>
      %gather3A_350 = tpu.vector_load_idx %arg5[%add3A_349, %shift_right_logical3A_56, %and3A_59] : memref<64x8x128xf32, #tpu.memory_space<vmem>>[vector<16xi32>, vector<16xi32>, vector<16xi32>], vector<16xf32>,
      %add3A_351 = arith.constant 1 : i32
      %add3A_352 = vector.broadcast %add3A_351 : i32 to vector<16xi32>
      %add3A_353 = arith.addi %add3A_349, %add3A_352 : vector<16xi32>
      %mul3A_354 = arith.constant 16 : i32
      %mul3A_355 = arith.muli %scan3A_51, %mul3A_354 : i32
      %swap3A_356 = arith.constant 28 : i32
      %swap3A_357 = arith.index_cast %swap3A_356 : i32 to index
      %swap3A_358 = arith.index_cast %mul3A_355 : i32 to index
      %swap3A_359 = tpu.vector_load %arg7[%swap3A_357, %swap3A_358] {strides = array<i32>} : memref<64x640xf32, #tpu.memory_space<vmem>>, vector<16xf32>,
      tpu.vector_store %arg7[%swap3A_357, %swap3A_358], %gather3A_338 {strides = array<i32>} : memref<64x640xf32, #tpu.memory_space<vmem>>, vector<16xf32>,
      %mul3A_360 = arith.constant 16 : i32
      %mul3A_361 = arith.muli %scan3A_51, %mul3A_360 : i32
      %swap3A_362 = arith.constant 29 : i32
      %swap3A_363 = arith.index_cast %swap3A_362 : i32 to index
      %swap3A_364 = arith.index_cast %mul3A_361 : i32 to index
      %swap3A_365 = tpu.vector_load %arg7[%swap3A_363, %swap3A_364] {strides = array<i32>} : memref<64x640xf32, #tpu.memory_space<vmem>>, vector<16xf32>,
      tpu.vector_store %arg7[%swap3A_363, %swap3A_364], %gather3A_342 {strides = array<i32>} : memref<64x640xf32, #tpu.memory_space<vmem>>, vector<16xf32>,
      %mul3A_366 = arith.constant 16 : i32
      %mul3A_367 = arith.muli %scan3A_51, %mul3A_366 : i32
      %swap3A_368 = arith.constant 30 : i32
      %swap3A_369 = arith.index_cast %swap3A_368 : i32 to index
      %swap3A_370 = arith.index_cast %mul3A_367 : i32 to index
      %swap3A_371 = tpu.vector_load %arg7[%swap3A_369, %swap3A_370] {strides = array<i32>} : memref<64x640xf32, #tpu.memory_space<vmem>>, vector<16xf32>,
      tpu.vector_store %arg7[%swap3A_369, %swap3A_370], %gather3A_346 {strides = array<i32>} : memref<64x640xf32, #tpu.memory_space<vmem>>, vector<16xf32>,
      %mul3A_372 = arith.constant 16 : i32
      %mul3A_373 = arith.muli %scan3A_51, %mul3A_372 : i32
      %swap3A_374 = arith.constant 31 : i32
      %swap3A_375 = arith.index_cast %swap3A_374 : i32 to index
      %swap3A_376 = arith.index_cast %mul3A_373 : i32 to index
      %swap3A_377 = tpu.vector_load %arg7[%swap3A_375, %swap3A_376] {strides = array<i32>} : memref<64x640xf32, #tpu.memory_space<vmem>>, vector<16xf32>,
      tpu.vector_store %arg7[%swap3A_375, %swap3A_376], %gather3A_350 {strides = array<i32>} : memref<64x640xf32, #tpu.memory_space<vmem>>, vector<16xf32>,
      %gather3A_378 = tpu.vector_load_idx %arg5[%add3A_353, %shift_right_logical3A_56, %and3A_59] : memref<64x8x128xf32, #tpu.memory_space<vmem>>[vector<16xi32>, vector<16xi32>, vector<16xi32>], vector<16xf32>,
      %add3A_379 = arith.constant 1 : i32
      %add3A_380 = vector.broadcast %add3A_379 : i32 to vector<16xi32>
      %add3A_381 = arith.addi %add3A_353, %add3A_380 : vector<16xi32>
      %gather3A_382 = tpu.vector_load_idx %arg5[%add3A_381, %shift_right_logical3A_56, %and3A_59] : memref<64x8x128xf32, #tpu.memory_space<vmem>>[vector<16xi32>, vector<16xi32>, vector<16xi32>], vector<16xf32>,
      %add3A_383 = arith.constant 1 : i32
      %add3A_384 = vector.broadcast %add3A_383 : i32 to vector<16xi32>
      %add3A_385 = arith.addi %add3A_381, %add3A_384 : vector<16xi32>
      %gather3A_386 = tpu.vector_load_idx %arg5[%add3A_385, %shift_right_logical3A_56, %and3A_59] : memref<64x8x128xf32, #tpu.memory_space<vmem>>[vector<16xi32>, vector<16xi32>, vector<16xi32>], vector<16xf32>,
      %add3A_387 = arith.constant 1 : i32
      %add3A_388 = vector.broadcast %add3A_387 : i32 to vector<16xi32>
      %add3A_389 = arith.addi %add3A_385, %add3A_388 : vector<16xi32>
      %gather3A_390 = tpu.vector_load_idx %arg5[%add3A_389, %shift_right_logical3A_56, %and3A_59] : memref<64x8x128xf32, #tpu.memory_space<vmem>>[vector<16xi32>, vector<16xi32>, vector<16xi32>], vector<16xf32>,
      %add3A_391 = arith.constant 1 : i32
      %add3A_392 = vector.broadcast %add3A_391 : i32 to vector<16xi32>
      %add3A_393 = arith.addi %add3A_389, %add3A_392 : vector<16xi32>
      %mul3A_394 = arith.constant 16 : i32
      %mul3A_395 = arith.muli %scan3A_51, %mul3A_394 : i32
      %swap3A_396 = arith.constant 32 : i32
      %swap3A_397 = arith.index_cast %swap3A_396 : i32 to index
      %swap3A_398 = arith.index_cast %mul3A_395 : i32 to index
      %swap3A_399 = tpu.vector_load %arg7[%swap3A_397, %swap3A_398] {strides = array<i32>} : memref<64x640xf32, #tpu.memory_space<vmem>>, vector<16xf32>,
      tpu.vector_store %arg7[%swap3A_397, %swap3A_398], %gather3A_378 {strides = array<i32>} : memref<64x640xf32, #tpu.memory_space<vmem>>, vector<16xf32>,
      %mul3A_400 = arith.constant 16 : i32
      %mul3A_401 = arith.muli %scan3A_51, %mul3A_400 : i32
      %swap3A_402 = arith.constant 33 : i32
      %swap3A_403 = arith.index_cast %swap3A_402 : i32 to index
      %swap3A_404 = arith.index_cast %mul3A_401 : i32 to index
      %swap3A_405 = tpu.vector_load %arg7[%swap3A_403, %swap3A_404] {strides = array<i32>} : memref<64x640xf32, #tpu.memory_space<vmem>>, vector<16xf32>,
      tpu.vector_store %arg7[%swap3A_403, %swap3A_404], %gather3A_382 {strides = array<i32>} : memref<64x640xf32, #tpu.memory_space<vmem>>, vector<16xf32>,
      %mul3A_406 = arith.constant 16 : i32
      %mul3A_407 = arith.muli %scan3A_51, %mul3A_406 : i32
      %swap3A_408 = arith.constant 34 : i32
      %swap3A_409 = arith.index_cast %swap3A_408 : i32 to index
      %swap3A_410 = arith.index_cast %mul3A_407 : i32 to index
      %swap3A_411 = tpu.vector_load %arg7[%swap3A_409, %swap3A_410] {strides = array<i32>} : memref<64x640xf32, #tpu.memory_space<vmem>>, vector<16xf32>,
      tpu.vector_store %arg7[%swap3A_409, %swap3A_410], %gather3A_386 {strides = array<i32>} : memref<64x640xf32, #tpu.memory_space<vmem>>, vector<16xf32>,
      %mul3A_412 = arith.constant 16 : i32
      %mul3A_413 = arith.muli %scan3A_51, %mul3A_412 : i32
      %swap3A_414 = arith.constant 35 : i32
      %swap3A_415 = arith.index_cast %swap3A_414 : i32 to index
      %swap3A_416 = arith.index_cast %mul3A_413 : i32 to index
      %swap3A_417 = tpu.vector_load %arg7[%swap3A_415, %swap3A_416] {strides = array<i32>} : memref<64x640xf32, #tpu.memory_space<vmem>>, vector<16xf32>,
      tpu.vector_store %arg7[%swap3A_415, %swap3A_416], %gather3A_390 {strides = array<i32>} : memref<64x640xf32, #tpu.memory_space<vmem>>, vector<16xf32>,
      %gather3A_418 = tpu.vector_load_idx %arg5[%add3A_393, %shift_right_logical3A_56, %and3A_59] : memref<64x8x128xf32, #tpu.memory_space<vmem>>[vector<16xi32>, vector<16xi32>, vector<16xi32>], vector<16xf32>,
      %add3A_419 = arith.constant 1 : i32
      %add3A_420 = vector.broadcast %add3A_419 : i32 to vector<16xi32>
      %add3A_421 = arith.addi %add3A_393, %add3A_420 : vector<16xi32>
      %gather3A_422 = tpu.vector_load_idx %arg5[%add3A_421, %shift_right_logical3A_56, %and3A_59] : memref<64x8x128xf32, #tpu.memory_space<vmem>>[vector<16xi32>, vector<16xi32>, vector<16xi32>], vector<16xf32>,
      %add3A_423 = arith.constant 1 : i32
      %add3A_424 = vector.broadcast %add3A_423 : i32 to vector<16xi32>
      %add3A_425 = arith.addi %add3A_421, %add3A_424 : vector<16xi32>
      %gather3A_426 = tpu.vector_load_idx %arg5[%add3A_425, %shift_right_logical3A_56, %and3A_59] : memref<64x8x128xf32, #tpu.memory_space<vmem>>[vector<16xi32>, vector<16xi32>, vector<16xi32>], vector<16xf32>,
      %add3A_427 = arith.constant 1 : i32
      %add3A_428 = vector.broadcast %add3A_427 : i32 to vector<16xi32>
      %add3A_429 = arith.addi %add3A_425, %add3A_428 : vector<16xi32>
      %gather3A_430 = tpu.vector_load_idx %arg5[%add3A_429, %shift_right_logical3A_56, %and3A_59] : memref<64x8x128xf32, #tpu.memory_space<vmem>>[vector<16xi32>, vector<16xi32>, vector<16xi32>], vector<16xf32>,
      %add3A_431 = arith.constant 1 : i32
      %add3A_432 = vector.broadcast %add3A_431 : i32 to vector<16xi32>
      %add3A_433 = arith.addi %add3A_429, %add3A_432 : vector<16xi32>
      %mul3A_434 = arith.constant 16 : i32
      %mul3A_435 = arith.muli %scan3A_51, %mul3A_434 : i32
      %swap3A_436 = arith.constant 36 : i32
      %swap3A_437 = arith.index_cast %swap3A_436 : i32 to index
      %swap3A_438 = arith.index_cast %mul3A_435 : i32 to index
      %swap3A_439 = tpu.vector_load %arg7[%swap3A_437, %swap3A_438] {strides = array<i32>} : memref<64x640xf32, #tpu.memory_space<vmem>>, vector<16xf32>,
      tpu.vector_store %arg7[%swap3A_437, %swap3A_438], %gather3A_418 {strides = array<i32>} : memref<64x640xf32, #tpu.memory_space<vmem>>, vector<16xf32>,
      %mul3A_440 = arith.constant 16 : i32
      %mul3A_441 = arith.muli %scan3A_51, %mul3A_440 : i32
      %swap3A_442 = arith.constant 37 : i32
      %swap3A_443 = arith.index_cast %swap3A_442 : i32 to index
      %swap3A_444 = arith.index_cast %mul3A_441 : i32 to index
      %swap3A_445 = tpu.vector_load %arg7[%swap3A_443, %swap3A_444] {strides = array<i32>} : memref<64x640xf32, #tpu.memory_space<vmem>>, vector<16xf32>,
      tpu.vector_store %arg7[%swap3A_443, %swap3A_444], %gather3A_422 {strides = array<i32>} : memref<64x640xf32, #tpu.memory_space<vmem>>, vector<16xf32>,
      %mul3A_446 = arith.constant 16 : i32
      %mul3A_447 = arith.muli %scan3A_51, %mul3A_446 : i32
      %swap3A_448 = arith.constant 38 : i32
      %swap3A_449 = arith.index_cast %swap3A_448 : i32 to index
      %swap3A_450 = arith.index_cast %mul3A_447 : i32 to index
      %swap3A_451 = tpu.vector_load %arg7[%swap3A_449, %swap3A_450] {strides = array<i32>} : memref<64x640xf32, #tpu.memory_space<vmem>>, vector<16xf32>,
      tpu.vector_store %arg7[%swap3A_449, %swap3A_450], %gather3A_426 {strides = array<i32>} : memref<64x640xf32, #tpu.memory_space<vmem>>, vector<16xf32>,
      %mul3A_452 = arith.constant 16 : i32
      %mul3A_453 = arith.muli %scan3A_51, %mul3A_452 : i32
      %swap3A_454 = arith.constant 39 : i32
      %swap3A_455 = arith.index_cast %swap3A_454 : i32 to index
      %swap3A_456 = arith.index_cast %mul3A_453 : i32 to index
      %swap3A_457 = tpu.vector_load %arg7[%swap3A_455, %swap3A_456] {strides = array<i32>} : memref<64x640xf32, #tpu.memory_space<vmem>>, vector<16xf32>,
      tpu.vector_store %arg7[%swap3A_455, %swap3A_456], %gather3A_430 {strides = array<i32>} : memref<64x640xf32, #tpu.memory_space<vmem>>, vector<16xf32>,
      %gather3A_458 = tpu.vector_load_idx %arg5[%add3A_433, %shift_right_logical3A_56, %and3A_59] : memref<64x8x128xf32, #tpu.memory_space<vmem>>[vector<16xi32>, vector<16xi32>, vector<16xi32>], vector<16xf32>,
      %add3A_459 = arith.constant 1 : i32
      %add3A_460 = vector.broadcast %add3A_459 : i32 to vector<16xi32>
      %add3A_461 = arith.addi %add3A_433, %add3A_460 : vector<16xi32>
      %gather3A_462 = tpu.vector_load_idx %arg5[%add3A_461, %shift_right_logical3A_56, %and3A_59] : memref<64x8x128xf32, #tpu.memory_space<vmem>>[vector<16xi32>, vector<16xi32>, vector<16xi32>], vector<16xf32>,
      %add3A_463 = arith.constant 1 : i32
      %add3A_464 = vector.broadcast %add3A_463 : i32 to vector<16xi32>
      %add3A_465 = arith.addi %add3A_461, %add3A_464 : vector<16xi32>
      %gather3A_466 = tpu.vector_load_idx %arg5[%add3A_465, %shift_right_logical3A_56, %and3A_59] : memref<64x8x128xf32, #tpu.memory_space<vmem>>[vector<16xi32>, vector<16xi32>, vector<16xi32>], vector<16xf32>,
      %add3A_467 = arith.constant 1 : i32
      %add3A_468 = vector.broadcast %add3A_467 : i32 to vector<16xi32>
      %add3A_469 = arith.addi %add3A_465, %add3A_468 : vector<16xi32>
      %gather3A_470 = tpu.vector_load_idx %arg5[%add3A_469, %shift_right_logical3A_56, %and3A_59] : memref<64x8x128xf32, #tpu.memory_space<vmem>>[vector<16xi32>, vector<16xi32>, vector<16xi32>], vector<16xf32>,
      %add3A_471 = arith.constant 1 : i32
      %add3A_472 = vector.broadcast %add3A_471 : i32 to vector<16xi32>
      %add3A_473 = arith.addi %add3A_469, %add3A_472 : vector<16xi32>
      %mul3A_474 = arith.constant 16 : i32
      %mul3A_475 = arith.muli %scan3A_51, %mul3A_474 : i32
      %swap3A_476 = arith.constant 40 : i32
      %swap3A_477 = arith.index_cast %swap3A_476 : i32 to index
      %swap3A_478 = arith.index_cast %mul3A_475 : i32 to index
      %swap3A_479 = tpu.vector_load %arg7[%swap3A_477, %swap3A_478] {strides = array<i32>} : memref<64x640xf32, #tpu.memory_space<vmem>>, vector<16xf32>,
      tpu.vector_store %arg7[%swap3A_477, %swap3A_478], %gather3A_458 {strides = array<i32>} : memref<64x640xf32, #tpu.memory_space<vmem>>, vector<16xf32>,
      %mul3A_480 = arith.constant 16 : i32
      %mul3A_481 = arith.muli %scan3A_51, %mul3A_480 : i32
      %swap3A_482 = arith.constant 41 : i32
      %swap3A_483 = arith.index_cast %swap3A_482 : i32 to index
      %swap3A_484 = arith.index_cast %mul3A_481 : i32 to index
      %swap3A_485 = tpu.vector_load %arg7[%swap3A_483, %swap3A_484] {strides = array<i32>} : memref<64x640xf32, #tpu.memory_space<vmem>>, vector<16xf32>,
      tpu.vector_store %arg7[%swap3A_483, %swap3A_484], %gather3A_462 {strides = array<i32>} : memref<64x640xf32, #tpu.memory_space<vmem>>, vector<16xf32>,
      %mul3A_486 = arith.constant 16 : i32
      %mul3A_487 = arith.muli %scan3A_51, %mul3A_486 : i32
      %swap3A_488 = arith.constant 42 : i32
      %swap3A_489 = arith.index_cast %swap3A_488 : i32 to index
      %swap3A_490 = arith.index_cast %mul3A_487 : i32 to index
      %swap3A_491 = tpu.vector_load %arg7[%swap3A_489, %swap3A_490] {strides = array<i32>} : memref<64x640xf32, #tpu.memory_space<vmem>>, vector<16xf32>,
      tpu.vector_store %arg7[%swap3A_489, %swap3A_490], %gather3A_466 {strides = array<i32>} : memref<64x640xf32, #tpu.memory_space<vmem>>, vector<16xf32>,
      %mul3A_492 = arith.constant 16 : i32
      %mul3A_493 = arith.muli %scan3A_51, %mul3A_492 : i32
      %swap3A_494 = arith.constant 43 : i32
      %swap3A_495 = arith.index_cast %swap3A_494 : i32 to index
      %swap3A_496 = arith.index_cast %mul3A_493 : i32 to index
      %swap3A_497 = tpu.vector_load %arg7[%swap3A_495, %swap3A_496] {strides = array<i32>} : memref<64x640xf32, #tpu.memory_space<vmem>>, vector<16xf32>,
      tpu.vector_store %arg7[%swap3A_495, %swap3A_496], %gather3A_470 {strides = array<i32>} : memref<64x640xf32, #tpu.memory_space<vmem>>, vector<16xf32>,
      %gather3A_498 = tpu.vector_load_idx %arg5[%add3A_473, %shift_right_logical3A_56, %and3A_59] : memref<64x8x128xf32, #tpu.memory_space<vmem>>[vector<16xi32>, vector<16xi32>, vector<16xi32>], vector<16xf32>,
      %add3A_499 = arith.constant 1 : i32
      %add3A_500 = vector.broadcast %add3A_499 : i32 to vector<16xi32>
      %add3A_501 = arith.addi %add3A_473, %add3A_500 : vector<16xi32>
      %gather3A_502 = tpu.vector_load_idx %arg5[%add3A_501, %shift_right_logical3A_56, %and3A_59] : memref<64x8x128xf32, #tpu.memory_space<vmem>>[vector<16xi32>, vector<16xi32>, vector<16xi32>], vector<16xf32>,
      %add3A_503 = arith.constant 1 : i32
      %add3A_504 = vector.broadcast %add3A_503 : i32 to vector<16xi32>
      %add3A_505 = arith.addi %add3A_501, %add3A_504 : vector<16xi32>
      %gather3A_506 = tpu.vector_load_idx %arg5[%add3A_505, %shift_right_logical3A_56, %and3A_59] : memref<64x8x128xf32, #tpu.memory_space<vmem>>[vector<16xi32>, vector<16xi32>, vector<16xi32>], vector<16xf32>,
      %add3A_507 = arith.constant 1 : i32
      %add3A_508 = vector.broadcast %add3A_507 : i32 to vector<16xi32>
      %add3A_509 = arith.addi %add3A_505, %add3A_508 : vector<16xi32>
      %gather3A_510 = tpu.vector_load_idx %arg5[%add3A_509, %shift_right_logical3A_56, %and3A_59] : memref<64x8x128xf32, #tpu.memory_space<vmem>>[vector<16xi32>, vector<16xi32>, vector<16xi32>], vector<16xf32>,
      %add3A_511 = arith.constant 1 : i32
      %add3A_512 = vector.broadcast %add3A_511 : i32 to vector<16xi32>
      %add3A_513 = arith.addi %add3A_509, %add3A_512 : vector<16xi32>
      %mul3A_514 = arith.constant 16 : i32
      %mul3A_515 = arith.muli %scan3A_51, %mul3A_514 : i32
      %swap3A_516 = arith.constant 44 : i32
      %swap3A_517 = arith.index_cast %swap3A_516 : i32 to index
      %swap3A_518 = arith.index_cast %mul3A_515 : i32 to index
      %swap3A_519 = tpu.vector_load %arg7[%swap3A_517, %swap3A_518] {strides = array<i32>} : memref<64x640xf32, #tpu.memory_space<vmem>>, vector<16xf32>,
      tpu.vector_store %arg7[%swap3A_517, %swap3A_518], %gather3A_498 {strides = array<i32>} : memref<64x640xf32, #tpu.memory_space<vmem>>, vector<16xf32>,
      %mul3A_520 = arith.constant 16 : i32
      %mul3A_521 = arith.muli %scan3A_51, %mul3A_520 : i32
      %swap3A_522 = arith.constant 45 : i32
      %swap3A_523 = arith.index_cast %swap3A_522 : i32 to index
      %swap3A_524 = arith.index_cast %mul3A_521 : i32 to index
      %swap3A_525 = tpu.vector_load %arg7[%swap3A_523, %swap3A_524] {strides = array<i32>} : memref<64x640xf32, #tpu.memory_space<vmem>>, vector<16xf32>,
      tpu.vector_store %arg7[%swap3A_523, %swap3A_524], %gather3A_502 {strides = array<i32>} : memref<64x640xf32, #tpu.memory_space<vmem>>, vector<16xf32>,
      %mul3A_526 = arith.constant 16 : i32
      %mul3A_527 = arith.muli %scan3A_51, %mul3A_526 : i32
      %swap3A_528 = arith.constant 46 : i32
      %swap3A_529 = arith.index_cast %swap3A_528 : i32 to index
      %swap3A_530 = arith.index_cast %mul3A_527 : i32 to index
      %swap3A_531 = tpu.vector_load %arg7[%swap3A_529, %swap3A_530] {strides = array<i32>} : memref<64x640xf32, #tpu.memory_space<vmem>>, vector<16xf32>,
      tpu.vector_store %arg7[%swap3A_529, %swap3A_530], %gather3A_506 {strides = array<i32>} : memref<64x640xf32, #tpu.memory_space<vmem>>, vector<16xf32>,
      %mul3A_532 = arith.constant 16 : i32
      %mul3A_533 = arith.muli %scan3A_51, %mul3A_532 : i32
      %swap3A_534 = arith.constant 47 : i32
      %swap3A_535 = arith.index_cast %swap3A_534 : i32 to index
      %swap3A_536 = arith.index_cast %mul3A_533 : i32 to index
      %swap3A_537 = tpu.vector_load %arg7[%swap3A_535, %swap3A_536] {strides = array<i32>} : memref<64x640xf32, #tpu.memory_space<vmem>>, vector<16xf32>,
      tpu.vector_store %arg7[%swap3A_535, %swap3A_536], %gather3A_510 {strides = array<i32>} : memref<64x640xf32, #tpu.memory_space<vmem>>, vector<16xf32>,
      %gather3A_538 = tpu.vector_load_idx %arg5[%add3A_513, %shift_right_logical3A_56, %and3A_59] : memref<64x8x128xf32, #tpu.memory_space<vmem>>[vector<16xi32>, vector<16xi32>, vector<16xi32>], vector<16xf32>,
      %add3A_539 = arith.constant 1 : i32
      %add3A_540 = vector.broadcast %add3A_539 : i32 to vector<16xi32>
      %add3A_541 = arith.addi %add3A_513, %add3A_540 : vector<16xi32>
      %gather3A_542 = tpu.vector_load_idx %arg5[%add3A_541, %shift_right_logical3A_56, %and3A_59] : memref<64x8x128xf32, #tpu.memory_space<vmem>>[vector<16xi32>, vector<16xi32>, vector<16xi32>], vector<16xf32>,
      %add3A_543 = arith.constant 1 : i32
      %add3A_544 = vector.broadcast %add3A_543 : i32 to vector<16xi32>
      %add3A_545 = arith.addi %add3A_541, %add3A_544 : vector<16xi32>
      %gather3A_546 = tpu.vector_load_idx %arg5[%add3A_545, %shift_right_logical3A_56, %and3A_59] : memref<64x8x128xf32, #tpu.memory_space<vmem>>[vector<16xi32>, vector<16xi32>, vector<16xi32>], vector<16xf32>,
      %add3A_547 = arith.constant 1 : i32
      %add3A_548 = vector.broadcast %add3A_547 : i32 to vector<16xi32>
      %add3A_549 = arith.addi %add3A_545, %add3A_548 : vector<16xi32>
      %gather3A_550 = tpu.vector_load_idx %arg5[%add3A_549, %shift_right_logical3A_56, %and3A_59] : memref<64x8x128xf32, #tpu.memory_space<vmem>>[vector<16xi32>, vector<16xi32>, vector<16xi32>], vector<16xf32>,
      %add3A_551 = arith.constant 1 : i32
      %add3A_552 = vector.broadcast %add3A_551 : i32 to vector<16xi32>
      %add3A_553 = arith.addi %add3A_549, %add3A_552 : vector<16xi32>
      %mul3A_554 = arith.constant 16 : i32
      %mul3A_555 = arith.muli %scan3A_51, %mul3A_554 : i32
      %swap3A_556 = arith.constant 48 : i32
      %swap3A_557 = arith.index_cast %swap3A_556 : i32 to index
      %swap3A_558 = arith.index_cast %mul3A_555 : i32 to index
      %swap3A_559 = tpu.vector_load %arg7[%swap3A_557, %swap3A_558] {strides = array<i32>} : memref<64x640xf32, #tpu.memory_space<vmem>>, vector<16xf32>,
      tpu.vector_store %arg7[%swap3A_557, %swap3A_558], %gather3A_538 {strides = array<i32>} : memref<64x640xf32, #tpu.memory_space<vmem>>, vector<16xf32>,
      %mul3A_560 = arith.constant 16 : i32
      %mul3A_561 = arith.muli %scan3A_51, %mul3A_560 : i32
      %swap3A_562 = arith.constant 49 : i32
      %swap3A_563 = arith.index_cast %swap3A_562 : i32 to index
      %swap3A_564 = arith.index_cast %mul3A_561 : i32 to index
      %swap3A_565 = tpu.vector_load %arg7[%swap3A_563, %swap3A_564] {strides = array<i32>} : memref<64x640xf32, #tpu.memory_space<vmem>>, vector<16xf32>,
      tpu.vector_store %arg7[%swap3A_563, %swap3A_564], %gather3A_542 {strides = array<i32>} : memref<64x640xf32, #tpu.memory_space<vmem>>, vector<16xf32>,
      %mul3A_566 = arith.constant 16 : i32
      %mul3A_567 = arith.muli %scan3A_51, %mul3A_566 : i32
      %swap3A_568 = arith.constant 50 : i32
      %swap3A_569 = arith.index_cast %swap3A_568 : i32 to index
      %swap3A_570 = arith.index_cast %mul3A_567 : i32 to index
      %swap3A_571 = tpu.vector_load %arg7[%swap3A_569, %swap3A_570] {strides = array<i32>} : memref<64x640xf32, #tpu.memory_space<vmem>>, vector<16xf32>,
      tpu.vector_store %arg7[%swap3A_569, %swap3A_570], %gather3A_546 {strides = array<i32>} : memref<64x640xf32, #tpu.memory_space<vmem>>, vector<16xf32>,
      %mul3A_572 = arith.constant 16 : i32
      %mul3A_573 = arith.muli %scan3A_51, %mul3A_572 : i32
      %swap3A_574 = arith.constant 51 : i32
      %swap3A_575 = arith.index_cast %swap3A_574 : i32 to index
      %swap3A_576 = arith.index_cast %mul3A_573 : i32 to index
      %swap3A_577 = tpu.vector_load %arg7[%swap3A_575, %swap3A_576] {strides = array<i32>} : memref<64x640xf32, #tpu.memory_space<vmem>>, vector<16xf32>,
      tpu.vector_store %arg7[%swap3A_575, %swap3A_576], %gather3A_550 {strides = array<i32>} : memref<64x640xf32, #tpu.memory_space<vmem>>, vector<16xf32>,
      %gather3A_578 = tpu.vector_load_idx %arg5[%add3A_553, %shift_right_logical3A_56, %and3A_59] : memref<64x8x128xf32, #tpu.memory_space<vmem>>[vector<16xi32>, vector<16xi32>, vector<16xi32>], vector<16xf32>,
      %add3A_579 = arith.constant 1 : i32
      %add3A_580 = vector.broadcast %add3A_579 : i32 to vector<16xi32>
      %add3A_581 = arith.addi %add3A_553, %add3A_580 : vector<16xi32>
      %gather3A_582 = tpu.vector_load_idx %arg5[%add3A_581, %shift_right_logical3A_56, %and3A_59] : memref<64x8x128xf32, #tpu.memory_space<vmem>>[vector<16xi32>, vector<16xi32>, vector<16xi32>], vector<16xf32>,
      %add3A_583 = arith.constant 1 : i32
      %add3A_584 = vector.broadcast %add3A_583 : i32 to vector<16xi32>
      %add3A_585 = arith.addi %add3A_581, %add3A_584 : vector<16xi32>
      %gather3A_586 = tpu.vector_load_idx %arg5[%add3A_585, %shift_right_logical3A_56, %and3A_59] : memref<64x8x128xf32, #tpu.memory_space<vmem>>[vector<16xi32>, vector<16xi32>, vector<16xi32>], vector<16xf32>,
      %add3A_587 = arith.constant 1 : i32
      %add3A_588 = vector.broadcast %add3A_587 : i32 to vector<16xi32>
      %add3A_589 = arith.addi %add3A_585, %add3A_588 : vector<16xi32>
      %gather3A_590 = tpu.vector_load_idx %arg5[%add3A_589, %shift_right_logical3A_56, %and3A_59] : memref<64x8x128xf32, #tpu.memory_space<vmem>>[vector<16xi32>, vector<16xi32>, vector<16xi32>], vector<16xf32>,
      %add3A_591 = arith.constant 1 : i32
      %add3A_592 = vector.broadcast %add3A_591 : i32 to vector<16xi32>
      %add3A_593 = arith.addi %add3A_589, %add3A_592 : vector<16xi32>
      %mul3A_594 = arith.constant 16 : i32
      %mul3A_595 = arith.muli %scan3A_51, %mul3A_594 : i32
      %swap3A_596 = arith.constant 52 : i32
      %swap3A_597 = arith.index_cast %swap3A_596 : i32 to index
      %swap3A_598 = arith.index_cast %mul3A_595 : i32 to index
      %swap3A_599 = tpu.vector_load %arg7[%swap3A_597, %swap3A_598] {strides = array<i32>} : memref<64x640xf32, #tpu.memory_space<vmem>>, vector<16xf32>,
      tpu.vector_store %arg7[%swap3A_597, %swap3A_598], %gather3A_578 {strides = array<i32>} : memref<64x640xf32, #tpu.memory_space<vmem>>, vector<16xf32>,
      %mul3A_600 = arith.constant 16 : i32
      %mul3A_601 = arith.muli %scan3A_51, %mul3A_600 : i32
      %swap3A_602 = arith.constant 53 : i32
      %swap3A_603 = arith.index_cast %swap3A_602 : i32 to index
      %swap3A_604 = arith.index_cast %mul3A_601 : i32 to index
      %swap3A_605 = tpu.vector_load %arg7[%swap3A_603, %swap3A_604] {strides = array<i32>} : memref<64x640xf32, #tpu.memory_space<vmem>>, vector<16xf32>,
      tpu.vector_store %arg7[%swap3A_603, %swap3A_604], %gather3A_582 {strides = array<i32>} : memref<64x640xf32, #tpu.memory_space<vmem>>, vector<16xf32>,
      %mul3A_606 = arith.constant 16 : i32
      %mul3A_607 = arith.muli %scan3A_51, %mul3A_606 : i32
      %swap3A_608 = arith.constant 54 : i32
      %swap3A_609 = arith.index_cast %swap3A_608 : i32 to index
      %swap3A_610 = arith.index_cast %mul3A_607 : i32 to index
      %swap3A_611 = tpu.vector_load %arg7[%swap3A_609, %swap3A_610] {strides = array<i32>} : memref<64x640xf32, #tpu.memory_space<vmem>>, vector<16xf32>,
      tpu.vector_store %arg7[%swap3A_609, %swap3A_610], %gather3A_586 {strides = array<i32>} : memref<64x640xf32, #tpu.memory_space<vmem>>, vector<16xf32>,
      %mul3A_612 = arith.constant 16 : i32
      %mul3A_613 = arith.muli %scan3A_51, %mul3A_612 : i32
      %swap3A_614 = arith.constant 55 : i32
      %swap3A_615 = arith.index_cast %swap3A_614 : i32 to index
      %swap3A_616 = arith.index_cast %mul3A_613 : i32 to index
      %swap3A_617 = tpu.vector_load %arg7[%swap3A_615, %swap3A_616] {strides = array<i32>} : memref<64x640xf32, #tpu.memory_space<vmem>>, vector<16xf32>,
      tpu.vector_store %arg7[%swap3A_615, %swap3A_616], %gather3A_590 {strides = array<i32>} : memref<64x640xf32, #tpu.memory_space<vmem>>, vector<16xf32>,
      %gather3A_618 = tpu.vector_load_idx %arg5[%add3A_593, %shift_right_logical3A_56, %and3A_59] : memref<64x8x128xf32, #tpu.memory_space<vmem>>[vector<16xi32>, vector<16xi32>, vector<16xi32>], vector<16xf32>,
      %add3A_619 = arith.constant 1 : i32
      %add3A_620 = vector.broadcast %add3A_619 : i32 to vector<16xi32>
      %add3A_621 = arith.addi %add3A_593, %add3A_620 : vector<16xi32>
      %gather3A_622 = tpu.vector_load_idx %arg5[%add3A_621, %shift_right_logical3A_56, %and3A_59] : memref<64x8x128xf32, #tpu.memory_space<vmem>>[vector<16xi32>, vector<16xi32>, vector<16xi32>], vector<16xf32>,
      %add3A_623 = arith.constant 1 : i32
      %add3A_624 = vector.broadcast %add3A_623 : i32 to vector<16xi32>
      %add3A_625 = arith.addi %add3A_621, %add3A_624 : vector<16xi32>
      %gather3A_626 = tpu.vector_load_idx %arg5[%add3A_625, %shift_right_logical3A_56, %and3A_59] : memref<64x8x128xf32, #tpu.memory_space<vmem>>[vector<16xi32>, vector<16xi32>, vector<16xi32>], vector<16xf32>,
      %add3A_627 = arith.constant 1 : i32
      %add3A_628 = vector.broadcast %add3A_627 : i32 to vector<16xi32>
      %add3A_629 = arith.addi %add3A_625, %add3A_628 : vector<16xi32>
      %gather3A_630 = tpu.vector_load_idx %arg5[%add3A_629, %shift_right_logical3A_56, %and3A_59] : memref<64x8x128xf32, #tpu.memory_space<vmem>>[vector<16xi32>, vector<16xi32>, vector<16xi32>], vector<16xf32>,
      %add3A_631 = arith.constant 1 : i32
      %add3A_632 = vector.broadcast %add3A_631 : i32 to vector<16xi32>
      %add3A_633 = arith.addi %add3A_629, %add3A_632 : vector<16xi32>
      %mul3A_634 = arith.constant 16 : i32
      %mul3A_635 = arith.muli %scan3A_51, %mul3A_634 : i32
      %swap3A_636 = arith.constant 56 : i32
      %swap3A_637 = arith.index_cast %swap3A_636 : i32 to index
      %swap3A_638 = arith.index_cast %mul3A_635 : i32 to index
      %swap3A_639 = tpu.vector_load %arg7[%swap3A_637, %swap3A_638] {strides = array<i32>} : memref<64x640xf32, #tpu.memory_space<vmem>>, vector<16xf32>,
      tpu.vector_store %arg7[%swap3A_637, %swap3A_638], %gather3A_618 {strides = array<i32>} : memref<64x640xf32, #tpu.memory_space<vmem>>, vector<16xf32>,
      %mul3A_640 = arith.constant 16 : i32
      %mul3A_641 = arith.muli %scan3A_51, %mul3A_640 : i32
      %swap3A_642 = arith.constant 57 : i32
      %swap3A_643 = arith.index_cast %swap3A_642 : i32 to index
      %swap3A_644 = arith.index_cast %mul3A_641 : i32 to index
      %swap3A_645 = tpu.vector_load %arg7[%swap3A_643, %swap3A_644] {strides = array<i32>} : memref<64x640xf32, #tpu.memory_space<vmem>>, vector<16xf32>,
      tpu.vector_store %arg7[%swap3A_643, %swap3A_644], %gather3A_622 {strides = array<i32>} : memref<64x640xf32, #tpu.memory_space<vmem>>, vector<16xf32>,
      %mul3A_646 = arith.constant 16 : i32
      %mul3A_647 = arith.muli %scan3A_51, %mul3A_646 : i32
      %swap3A_648 = arith.constant 58 : i32
      %swap3A_649 = arith.index_cast %swap3A_648 : i32 to index
      %swap3A_650 = arith.index_cast %mul3A_647 : i32 to index
      %swap3A_651 = tpu.vector_load %arg7[%swap3A_649, %swap3A_650] {strides = array<i32>} : memref<64x640xf32, #tpu.memory_space<vmem>>, vector<16xf32>,
      tpu.vector_store %arg7[%swap3A_649, %swap3A_650], %gather3A_626 {strides = array<i32>} : memref<64x640xf32, #tpu.memory_space<vmem>>, vector<16xf32>,
      %mul3A_652 = arith.constant 16 : i32
      %mul3A_653 = arith.muli %scan3A_51, %mul3A_652 : i32
      %swap3A_654 = arith.constant 59 : i32
      %swap3A_655 = arith.index_cast %swap3A_654 : i32 to index
      %swap3A_656 = arith.index_cast %mul3A_653 : i32 to index
      %swap3A_657 = tpu.vector_load %arg7[%swap3A_655, %swap3A_656] {strides = array<i32>} : memref<64x640xf32, #tpu.memory_space<vmem>>, vector<16xf32>,
      tpu.vector_store %arg7[%swap3A_655, %swap3A_656], %gather3A_630 {strides = array<i32>} : memref<64x640xf32, #tpu.memory_space<vmem>>, vector<16xf32>,
      %gather3A_658 = tpu.vector_load_idx %arg5[%add3A_633, %shift_right_logical3A_56, %and3A_59] : memref<64x8x128xf32, #tpu.memory_space<vmem>>[vector<16xi32>, vector<16xi32>, vector<16xi32>], vector<16xf32>,
      %add3A_659 = arith.constant 1 : i32
      %add3A_660 = vector.broadcast %add3A_659 : i32 to vector<16xi32>
      %add3A_661 = arith.addi %add3A_633, %add3A_660 : vector<16xi32>
      %gather3A_662 = tpu.vector_load_idx %arg5[%add3A_661, %shift_right_logical3A_56, %and3A_59] : memref<64x8x128xf32, #tpu.memory_space<vmem>>[vector<16xi32>, vector<16xi32>, vector<16xi32>], vector<16xf32>,
      %add3A_663 = arith.constant 1 : i32
      %add3A_664 = vector.broadcast %add3A_663 : i32 to vector<16xi32>
      %add3A_665 = arith.addi %add3A_661, %add3A_664 : vector<16xi32>
      %gather3A_666 = tpu.vector_load_idx %arg5[%add3A_665, %shift_right_logical3A_56, %and3A_59] : memref<64x8x128xf32, #tpu.memory_space<vmem>>[vector<16xi32>, vector<16xi32>, vector<16xi32>], vector<16xf32>,
      %add3A_667 = arith.constant 1 : i32
      %add3A_668 = vector.broadcast %add3A_667 : i32 to vector<16xi32>
      %add3A_669 = arith.addi %add3A_665, %add3A_668 : vector<16xi32>
      %gather3A_670 = tpu.vector_load_idx %arg5[%add3A_669, %shift_right_logical3A_56, %and3A_59] : memref<64x8x128xf32, #tpu.memory_space<vmem>>[vector<16xi32>, vector<16xi32>, vector<16xi32>], vector<16xf32>,
      %add3A_671 = arith.constant 1 : i32
      %add3A_672 = vector.broadcast %add3A_671 : i32 to vector<16xi32>
      %add3A_673 = arith.addi %add3A_669, %add3A_672 : vector<16xi32>
      %mul3A_674 = arith.constant 16 : i32
      %mul3A_675 = arith.muli %scan3A_51, %mul3A_674 : i32
      %swap3A_676 = arith.constant 60 : i32
      %swap3A_677 = arith.index_cast %swap3A_676 : i32 to index
      %swap3A_678 = arith.index_cast %mul3A_675 : i32 to index
      %swap3A_679 = tpu.vector_load %arg7[%swap3A_677, %swap3A_678] {strides = array<i32>} : memref<64x640xf32, #tpu.memory_space<vmem>>, vector<16xf32>,
      tpu.vector_store %arg7[%swap3A_677, %swap3A_678], %gather3A_658 {strides = array<i32>} : memref<64x640xf32, #tpu.memory_space<vmem>>, vector<16xf32>,
      %mul3A_680 = arith.constant 16 : i32
      %mul3A_681 = arith.muli %scan3A_51, %mul3A_680 : i32
      %swap3A_682 = arith.constant 61 : i32
      %swap3A_683 = arith.index_cast %swap3A_682 : i32 to index
      %swap3A_684 = arith.index_cast %mul3A_681 : i32 to index
      %swap3A_685 = tpu.vector_load %arg7[%swap3A_683, %swap3A_684] {strides = array<i32>} : memref<64x640xf32, #tpu.memory_space<vmem>>, vector<16xf32>,
      tpu.vector_store %arg7[%swap3A_683, %swap3A_684], %gather3A_662 {strides = array<i32>} : memref<64x640xf32, #tpu.memory_space<vmem>>, vector<16xf32>,
      %mul3A_686 = arith.constant 16 : i32
      %mul3A_687 = arith.muli %scan3A_51, %mul3A_686 : i32
      %swap3A_688 = arith.constant 62 : i32
      %swap3A_689 = arith.index_cast %swap3A_688 : i32 to index
      %swap3A_690 = arith.index_cast %mul3A_687 : i32 to index
      %swap3A_691 = tpu.vector_load %arg7[%swap3A_689, %swap3A_690] {strides = array<i32>} : memref<64x640xf32, #tpu.memory_space<vmem>>, vector<16xf32>,
      tpu.vector_store %arg7[%swap3A_689, %swap3A_690], %gather3A_666 {strides = array<i32>} : memref<64x640xf32, #tpu.memory_space<vmem>>, vector<16xf32>,
      %mul3A_692 = arith.constant 16 : i32
      %mul3A_693 = arith.muli %scan3A_51, %mul3A_692 : i32
      %swap3A_694 = arith.constant 63 : i32
      %swap3A_695 = arith.index_cast %swap3A_694 : i32 to index
      %swap3A_696 = arith.index_cast %mul3A_693 : i32 to index
      %swap3A_697 = tpu.vector_load %arg7[%swap3A_695, %swap3A_696] {strides = array<i32>} : memref<64x640xf32, #tpu.memory_space<vmem>>, vector<16xf32>,
      tpu.vector_store %arg7[%swap3A_695, %swap3A_696], %gather3A_670 {strides = array<i32>} : memref<64x640xf32, #tpu.memory_space<vmem>>, vector<16xf32>,
    }
    %scan3A_50 = arith.constant 36 : i32
    "tpu.region"() ({
      %run_scoped3A_51 = tpu.sem_alloc : memref<!tpu.dma_semaphore, #tpu.memory_space<semaphore_mem>>
      %dma_start3A_52 = arith.constant 0 : i32
      %dma_start3A_53 = tpu.memref_slice %arg4[%select_n3A, %mul3A_32, %dma_start3A_52] : memref<32x64x640xf32, #tpu.memory_space<hbm>> -> memref<1x64x640xf32, #tpu.memory_space<hbm>>
      %dma_start3A_54 = tpu.memref_squeeze %dma_start3A_53 : memref<1x64x640xf32, #tpu.memory_space<hbm>> -> memref<64x640xf32, #tpu.memory_space<hbm>>
      %dma_start3A_55 = arith.constant 0 : i32
      %dma_start3A_56 = tpu.memref_slice %arg4[%select_n3A, %mul3A_32, %dma_start3A_55] : memref<32x64x640xf32, #tpu.memory_space<hbm>> -> memref<1x64x640xf32, #tpu.memory_space<hbm>>
      %dma_start3A_57 = tpu.memref_squeeze %dma_start3A_56 : memref<1x64x640xf32, #tpu.memory_space<hbm>> -> memref<64x640xf32, #tpu.memory_space<hbm>>
      tpu.enqueue_dma source(%arg7 : memref<64x640xf32, #tpu.memory_space<vmem>>) target(%dma_start3A_57 : memref<64x640xf32, #tpu.memory_space<hbm>>) target_semaphore(%run_scoped3A_51 : memref<!tpu.dma_semaphore, #tpu.memory_space<semaphore_mem>>)
      %dma_wait3A_58 = arith.constant 0 : i32
      %dma_wait3A_59 = tpu.memref_slice %arg4[%select_n3A, %mul3A_32, %dma_wait3A_58] : memref<32x64x640xf32, #tpu.memory_space<hbm>> -> memref<1x64x640xf32, #tpu.memory_space<hbm>>
      %dma_wait3A_60 = tpu.memref_squeeze %dma_wait3A_59 : memref<1x64x640xf32, #tpu.memory_space<hbm>> -> memref<64x640xf32, #tpu.memory_space<hbm>>
      %dma_wait3A_61 = arith.constant 0 : i32
      %dma_wait3A_62 = tpu.memref_slice %arg4[%select_n3A, %mul3A_32, %dma_wait3A_61] : memref<32x64x640xf32, #tpu.memory_space<hbm>> -> memref<1x64x640xf32, #tpu.memory_space<hbm>>
      %dma_wait3A_63 = tpu.memref_squeeze %dma_wait3A_62 : memref<1x64x640xf32, #tpu.memory_space<hbm>> -> memref<64x640xf32, #tpu.memory_space<hbm>>
      tpu.wait_dma2 semaphore(%run_scoped3A_51 : memref<!tpu.dma_semaphore, #tpu.memory_space<semaphore_mem>>) src(%arg7 : memref<64x640xf32, #tpu.memory_space<vmem>>) dst(%dma_wait3A_63 : memref<64x640xf32, #tpu.memory_space<hbm>>)
      tpu.yield
    }) : () -> ()
    return
  }
}

module attributes {stable_mosaic.version = 14 : i64} {
  func.func @_dist_body(%arg0: i32, %arg1: memref<1x64x576xf32, #tpu.memory_space<vmem>>, %arg2: memref<64x1024xf32, #tpu.memory_space<vmem>>, %arg3: memref<1x1x640xi32, #tpu.memory_space<vmem>>, %arg4: memref<1x1xf32, #tpu.memory_space<smem>>, %arg5: memref<64x8x128xf32, #tpu.memory_space<vmem>>) attributes {dimension_semantics = [#tpu.dimension_semantics<arbitrary>], iteration_bounds = array<i64: 32>, scalar_prefetch = 0 : i64, scratch_operands = 0 : i64, tpu.core_type = #tpu.core_type<tc>, window_params = [{transform_indices = @transform_0, window_bounds = array<i64: 1, 64, 576>}, {pipeline_mode = #tpu.pipeline_mode<synchronous>, transform_indices = @transform_1, window_bounds = array<i64: 64, 1024>}, {transform_indices = @transform_2, window_bounds = array<i64: 1, 1, 640>}, {transform_indices = @transform_3, window_bounds = array<i64: 1, 1>}, {pipeline_mode = #tpu.pipeline_mode<synchronous>, transform_indices = @transform_4, window_bounds = array<i64: 64, 8, 128>}]} {
    %get3A = arith.constant 0 : index
    %get3A_0 = arith.constant 0 : index
    %get3A_1 = arith.constant 0 : index
    %get3A_2 = vector.load %arg1[%get3A, %get3A_0, %get3A_1] : memref<1x64x576xf32, #tpu.memory_space<vmem>>, vector<1x64x576xf32>
    %get3A_3 = vector.shape_cast %get3A_2 : vector<1x64x576xf32> to vector<64x576xf32>
    %transpose3A = tpu.transpose %get3A_3, [1, 0] : vector<64x576xf32> -> vector<576x64xf32>
    %get3A_4 = arith.constant 0 : index
    %get3A_5 = arith.constant 0 : index
    %get3A_6 = vector.load %arg2[%get3A_4, %get3A_5] : memref<64x1024xf32, #tpu.memory_space<vmem>>, vector<64x1024xf32>
    %dot_general3A = arith.constant dense<0.000000e+00> : vector<576x1024xf32>
    %dot_general3A_7 = tpu.matmul %transpose3A, %get3A_6, %dot_general3A {dimension_numbers = #tpu.dot_dimension_numbers<[1], [0], [0], [1], [0, 0, 1, 1], [], []>, transpose_lhs_hint = false} : vector<576x64xf32>, vector<64x1024xf32>, vector<576x1024xf32> -> vector<576x1024xf32>
    %mul3A = arith.mulf %transpose3A, %transpose3A : vector<576x64xf32>
    %reduce_sum3A = arith.constant dense<0.000000e+00> : vector<576xf32>
    %reduce_sum3A_8 = vector.multi_reduction <add>, %mul3A, %reduce_sum3A [1] : vector<576x64xf32> to vector<576xf32>
    %broadcast_in_dim3A = vector.shape_cast %reduce_sum3A_8 : vector<576xf32> to vector<576x1xf32>
    %mul3A_9 = arith.mulf %get3A_6, %get3A_6 : vector<64x1024xf32>
    %reduce_sum3A_10 = arith.constant dense<0.000000e+00> : vector<1024xf32>
    %reduce_sum3A_11 = vector.multi_reduction <add>, %mul3A_9, %reduce_sum3A_10 [0] : vector<64x1024xf32> to vector<1024xf32>
    %broadcast_in_dim3A_12 = vector.shape_cast %reduce_sum3A_11 : vector<1024xf32> to vector<1x1024xf32>
    %mul3A_13 = arith.constant 2.000000e+00 : f32
    %mul3A_14 = vector.broadcast %mul3A_13 : f32 to vector<576x1024xf32>
    %mul3A_15 = arith.mulf %mul3A_14, %dot_general3A_7 : vector<576x1024xf32>
    %sub3A = vector.broadcast %broadcast_in_dim3A : vector<576x1xf32> to vector<576x1024xf32>
    %sub3A_16 = arith.subf %sub3A, %mul3A_15 : vector<576x1024xf32>
    %add3A = vector.broadcast %broadcast_in_dim3A_12 : vector<1x1024xf32> to vector<576x1024xf32>
    %add3A_17 = arith.addf %sub3A_16, %add3A : vector<576x1024xf32>
    %reduce_min3A = arith.constant dense<0x7F800000> : vector<576xf32>
    %reduce_min3A_18 = vector.multi_reduction <minimumf>, %add3A_17, %reduce_min3A [1] : vector<576x1024xf32> to vector<576xf32>
    %broadcast_in_dim3A_19 = vector.shape_cast %reduce_min3A_18 : vector<576xf32> to vector<576x1xf32>
    %iota3A = tpu.iota {dimensions = array<i32: 1>} : vector<576x1024xi32>
    %convert_element_type3A = arith.sitofp %iota3A : vector<576x1024xi32> to vector<576x1024xf32>
    %le3A = vector.broadcast %broadcast_in_dim3A_19 : vector<576x1xf32> to vector<576x1024xf32>
    %le3A_20 = arith.cmpf ole, %add3A_17, %le3A : vector<576x1024xf32>
    %jit3A = arith.constant 1.024000e+03 : f32
    %broadcast_in_dim3A_21 = vector.broadcast %jit3A : f32 to vector<576x1024xf32>
    %select_n3A = arith.select %le3A_20, %convert_element_type3A, %broadcast_in_dim3A_21 : vector<576x1024xi1>, vector<576x1024xf32>
    %reduce_min3A_22 = arith.constant dense<0x7F800000> : vector<576xf32>
    %reduce_min3A_23 = vector.multi_reduction <minimumf>, %select_n3A, %reduce_min3A_22 [1] : vector<576x1024xf32> to vector<576xf32>
    %convert_element_type3A_24 = arith.fptosi %reduce_min3A_23 : vector<576xf32> to vector<576xi32>
    %swap3A = arith.constant 0 : index
    %swap3A_25 = arith.constant 0 : index
    %swap3A_26 = arith.constant 0 : index
    %swap3A_27 = vector.load %arg3[%swap3A, %swap3A_25, %swap3A_26] : memref<1x1x640xi32, #tpu.memory_space<vmem>>, vector<1x1x576xi32>
    %swap3A_28 = vector.shape_cast %swap3A_27 : vector<1x1x576xi32> to vector<576xi32>
    %swap3A_29 = vector.shape_cast %convert_element_type3A_24 : vector<576xi32> to vector<1x1x576xi32>
    tpu.vector_store %arg3[%swap3A, %swap3A_25, %swap3A_26], %swap3A_29 {strides = array<i32>} : memref<1x1x640xi32, #tpu.memory_space<vmem>>, vector<1x1x576xi32>,
    %reduce_sum3A_30 = vector.shape_cast %broadcast_in_dim3A_19 : vector<576x1xf32> to vector<1x576x1xf32>
    %reduce_sum3A_31 = arith.constant dense<0.000000e+00> : vector<1xf32>
    %reduce_sum3A_32 = vector.multi_reduction <add>, %reduce_sum3A_30, %reduce_sum3A_31 [1, 2] : vector<1x576x1xf32> to vector<1xf32>
    %reduce_sum3A_33 = vector.shape_cast %reduce_sum3A_32 : vector<1xf32> to vector<1x1x1xf32>
    %reduce_sum3A_34 = vector.extract %reduce_sum3A_33[0, 0, 0] : f32 from vector<1x1x1xf32>
    %eq3A = arith.constant 0 : i32
    %eq3A_35 = arith.cmpi eq, %arg0, %eq3A : i32
    %convert_element_type3A_36 = arith.extui %eq3A_35 : i1 to i32
    %cond3A = arith.constant 0 : i32
    %cond3A_37 = arith.cmpi ne, %convert_element_type3A_36, %cond3A : i32
    scf.if %cond3A_37 {
      %swap3A_45 = arith.constant 0.000000e+00 : f32
      %swap3A_46 = arith.constant 0 : index
      %swap3A_47 = arith.constant 0 : index
      %swap3A_48 = memref.load %arg4[%swap3A_46, %swap3A_47] : memref<1x1xf32, #tpu.memory_space<smem>>
      memref.store %swap3A_45, %arg4[%swap3A_46, %swap3A_47] : memref<1x1xf32, #tpu.memory_space<smem>>
      %slice3A = vector.extract_strided_slice %get3A_6 {offsets = [0, 0], sizes = [64, 128], strides = [1, 1]} : vector<64x1024xf32> to vector<64x128xf32>
      %swap3A_49 = arith.constant 0 : index
      %swap3A_50 = arith.constant 0 : index
      %swap3A_51 = arith.constant 0 : index
      %swap3A_52 = vector.load %arg5[%swap3A_49, %swap3A_50, %swap3A_51] : memref<64x8x128xf32, #tpu.memory_space<vmem>>, vector<64x1x128xf32>
      %swap3A_53 = vector.shape_cast %swap3A_52 : vector<64x1x128xf32> to vector<64x128xf32>
      %swap3A_54 = vector.shape_cast %slice3A : vector<64x128xf32> to vector<64x1x128xf32>
      tpu.vector_store %arg5[%swap3A_49, %swap3A_50, %swap3A_51], %swap3A_54 {strides = array<i32>} : memref<64x8x128xf32, #tpu.memory_space<vmem>>, vector<64x1x128xf32>,
      %slice3A_55 = vector.extract_strided_slice %get3A_6 {offsets = [0, 128], sizes = [64, 128], strides = [1, 1]} : vector<64x1024xf32> to vector<64x128xf32>
      %swap3A_56 = arith.constant 0 : index
      %swap3A_57 = arith.constant 1 : index
      %swap3A_58 = arith.constant 0 : index
      %swap3A_59 = vector.load %arg5[%swap3A_56, %swap3A_57, %swap3A_58] : memref<64x8x128xf32, #tpu.memory_space<vmem>>, vector<64x1x128xf32>
      %swap3A_60 = vector.shape_cast %swap3A_59 : vector<64x1x128xf32> to vector<64x128xf32>
      %swap3A_61 = vector.shape_cast %slice3A_55 : vector<64x128xf32> to vector<64x1x128xf32>
      tpu.vector_store %arg5[%swap3A_56, %swap3A_57, %swap3A_58], %swap3A_61 {strides = array<i32>} : memref<64x8x128xf32, #tpu.memory_space<vmem>>, vector<64x1x128xf32>,
      %slice3A_62 = vector.extract_strided_slice %get3A_6 {offsets = [0, 256], sizes = [64, 128], strides = [1, 1]} : vector<64x1024xf32> to vector<64x128xf32>
      %swap3A_63 = arith.constant 0 : index
      %swap3A_64 = arith.constant 2 : index
      %swap3A_65 = arith.constant 0 : index
      %swap3A_66 = vector.load %arg5[%swap3A_63, %swap3A_64, %swap3A_65] : memref<64x8x128xf32, #tpu.memory_space<vmem>>, vector<64x1x128xf32>
      %swap3A_67 = vector.shape_cast %swap3A_66 : vector<64x1x128xf32> to vector<64x128xf32>
      %swap3A_68 = vector.shape_cast %slice3A_62 : vector<64x128xf32> to vector<64x1x128xf32>
      tpu.vector_store %arg5[%swap3A_63, %swap3A_64, %swap3A_65], %swap3A_68 {strides = array<i32>} : memref<64x8x128xf32, #tpu.memory_space<vmem>>, vector<64x1x128xf32>,
      %slice3A_69 = vector.extract_strided_slice %get3A_6 {offsets = [0, 384], sizes = [64, 128], strides = [1, 1]} : vector<64x1024xf32> to vector<64x128xf32>
      %swap3A_70 = arith.constant 0 : index
      %swap3A_71 = arith.constant 3 : index
      %swap3A_72 = arith.constant 0 : index
      %swap3A_73 = vector.load %arg5[%swap3A_70, %swap3A_71, %swap3A_72] : memref<64x8x128xf32, #tpu.memory_space<vmem>>, vector<64x1x128xf32>
      %swap3A_74 = vector.shape_cast %swap3A_73 : vector<64x1x128xf32> to vector<64x128xf32>
      %swap3A_75 = vector.shape_cast %slice3A_69 : vector<64x128xf32> to vector<64x1x128xf32>
      tpu.vector_store %arg5[%swap3A_70, %swap3A_71, %swap3A_72], %swap3A_75 {strides = array<i32>} : memref<64x8x128xf32, #tpu.memory_space<vmem>>, vector<64x1x128xf32>,
      %slice3A_76 = vector.extract_strided_slice %get3A_6 {offsets = [0, 512], sizes = [64, 128], strides = [1, 1]} : vector<64x1024xf32> to vector<64x128xf32>
      %swap3A_77 = arith.constant 0 : index
      %swap3A_78 = arith.constant 4 : index
      %swap3A_79 = arith.constant 0 : index
      %swap3A_80 = vector.load %arg5[%swap3A_77, %swap3A_78, %swap3A_79] : memref<64x8x128xf32, #tpu.memory_space<vmem>>, vector<64x1x128xf32>
      %swap3A_81 = vector.shape_cast %swap3A_80 : vector<64x1x128xf32> to vector<64x128xf32>
      %swap3A_82 = vector.shape_cast %slice3A_76 : vector<64x128xf32> to vector<64x1x128xf32>
      tpu.vector_store %arg5[%swap3A_77, %swap3A_78, %swap3A_79], %swap3A_82 {strides = array<i32>} : memref<64x8x128xf32, #tpu.memory_space<vmem>>, vector<64x1x128xf32>,
      %slice3A_83 = vector.extract_strided_slice %get3A_6 {offsets = [0, 640], sizes = [64, 128], strides = [1, 1]} : vector<64x1024xf32> to vector<64x128xf32>
      %swap3A_84 = arith.constant 0 : index
      %swap3A_85 = arith.constant 5 : index
      %swap3A_86 = arith.constant 0 : index
      %swap3A_87 = vector.load %arg5[%swap3A_84, %swap3A_85, %swap3A_86] : memref<64x8x128xf32, #tpu.memory_space<vmem>>, vector<64x1x128xf32>
      %swap3A_88 = vector.shape_cast %swap3A_87 : vector<64x1x128xf32> to vector<64x128xf32>
      %swap3A_89 = vector.shape_cast %slice3A_83 : vector<64x128xf32> to vector<64x1x128xf32>
      tpu.vector_store %arg5[%swap3A_84, %swap3A_85, %swap3A_86], %swap3A_89 {strides = array<i32>} : memref<64x8x128xf32, #tpu.memory_space<vmem>>, vector<64x1x128xf32>,
      %slice3A_90 = vector.extract_strided_slice %get3A_6 {offsets = [0, 768], sizes = [64, 128], strides = [1, 1]} : vector<64x1024xf32> to vector<64x128xf32>
      %swap3A_91 = arith.constant 0 : index
      %swap3A_92 = arith.constant 6 : index
      %swap3A_93 = arith.constant 0 : index
      %swap3A_94 = vector.load %arg5[%swap3A_91, %swap3A_92, %swap3A_93] : memref<64x8x128xf32, #tpu.memory_space<vmem>>, vector<64x1x128xf32>
      %swap3A_95 = vector.shape_cast %swap3A_94 : vector<64x1x128xf32> to vector<64x128xf32>
      %swap3A_96 = vector.shape_cast %slice3A_90 : vector<64x128xf32> to vector<64x1x128xf32>
      tpu.vector_store %arg5[%swap3A_91, %swap3A_92, %swap3A_93], %swap3A_96 {strides = array<i32>} : memref<64x8x128xf32, #tpu.memory_space<vmem>>, vector<64x1x128xf32>,
      %slice3A_97 = vector.extract_strided_slice %get3A_6 {offsets = [0, 896], sizes = [64, 128], strides = [1, 1]} : vector<64x1024xf32> to vector<64x128xf32>
      %swap3A_98 = arith.constant 0 : index
      %swap3A_99 = arith.constant 7 : index
      %swap3A_100 = arith.constant 0 : index
      %swap3A_101 = vector.load %arg5[%swap3A_98, %swap3A_99, %swap3A_100] : memref<64x8x128xf32, #tpu.memory_space<vmem>>, vector<64x1x128xf32>
      %swap3A_102 = vector.shape_cast %swap3A_101 : vector<64x1x128xf32> to vector<64x128xf32>
      %swap3A_103 = vector.shape_cast %slice3A_97 : vector<64x128xf32> to vector<64x1x128xf32>
      tpu.vector_store %arg5[%swap3A_98, %swap3A_99, %swap3A_100], %swap3A_103 {strides = array<i32>} : memref<64x8x128xf32, #tpu.memory_space<vmem>>, vector<64x1x128xf32>,
    } else {
    }
    %get3A_38 = arith.constant 0 : index
    %get3A_39 = arith.constant 0 : index
    %get3A_40 = memref.load %arg4[%get3A_38, %get3A_39] : memref<1x1xf32, #tpu.memory_space<smem>>
    %add3A_41 = arith.addf %get3A_40, %reduce_sum3A_34 : f32
    %swap3A_42 = arith.constant 0 : index
    %swap3A_43 = arith.constant 0 : index
    %swap3A_44 = memref.load %arg4[%swap3A_42, %swap3A_43] : memref<1x1xf32, #tpu.memory_space<smem>>
    memref.store %add3A_41, %arg4[%swap3A_42, %swap3A_43] : memref<1x1xf32, #tpu.memory_space<smem>>
    return
  }
  func.func @transform_0(%arg0: i32) -> (i32, i32, i32) {
    %c0_i32 = arith.constant 0 : i32
    %c0_i32_0 = arith.constant 0 : i32
    %c0_i32_1 = arith.constant 0 : i32
    return %arg0, %c0_i32, %c0_i32_0 : i32, i32, i32
  }
  func.func @transform_1(%arg0: i32) -> (i32, i32) {
    %c0_i32 = arith.constant 0 : i32
    %c0_i32_0 = arith.constant 0 : i32
    %c0_i32_1 = arith.constant 0 : i32
    return %c0_i32, %c0_i32_0 : i32, i32
  }
  func.func @transform_2(%arg0: i32) -> (i32, i32, i32) {
    %c0_i32 = arith.constant 0 : i32
    %c0_i32_0 = arith.constant 0 : i32
    %c0_i32_1 = arith.constant 0 : i32
    return %arg0, %c0_i32, %c0_i32_0 : i32, i32, i32
  }
  func.func @transform_3(%arg0: i32) -> (i32, i32) {
    %c0_i32 = arith.constant 0 : i32
    %c0_i32_0 = arith.constant 0 : i32
    %c0_i32_1 = arith.constant 0 : i32
    return %c0_i32, %c0_i32_0 : i32, i32
  }
  func.func @transform_4(%arg0: i32) -> (i32, i32, i32) {
    %c0_i32 = arith.constant 0 : i32
    %c0_i32_0 = arith.constant 0 : i32
    %c0_i32_1 = arith.constant 0 : i32
    %c0_i32_2 = arith.constant 0 : i32
    return %c0_i32, %c0_i32_0, %c0_i32_1 : i32, i32, i32
  }
}

</mosaic_0001>

<sc_bundles>
// kernel: kernel.4.cloned.1.call-start
scs
__scs_entry_jumppad:
0x0: {  	(pc) =	sbr.rel $0x88, $3  }
0x1: {  	(tag) =	ssettag $0x0;
	lr =	simm.s32 $0x1  }
0x2: {  	[smem:$0x3F9F] =	sst lr;
	_ =	strace $0xD0000000  }
0x3: {  	_ = 	snop  }
0x4: {  	_ = 	snop  }
0x5: {  	_ = 	snop  }
0x6: {  	_ = 	snop  }
0x7: {  	_ = 	snop  }
__scs_overlays_trampoline_lowered:
0x8: {  	[smem:$0x3FAE] =	sst s0  }
0x9: {  	[smem:$0x3FAF] =	sst s1  }
0xa: {  	[smem:$0x3FB0] =	sst s2  }
0xb: {  	[smem:$0x3FB1] =	sst s3  }
0xc: {  	[smem:$0x3FB2] =	sst s4  }
0xd: {  	[smem:$0x3FB3] =	sst s5  }
0xe: {  	[smem:$0x3FB4] =	sst s6  }
0xf: {  	[smem:$0x3FB5] =	sst s7  }
0x10: {  	[smem:$0x3FB6] =	sst s8  }
0x11: {  	[smem:$0x3FB7] =	sst s9;
	s0 =	simm.s32 @!p0 $0x0  }
0x12: {  	s1 =	sld [smem:$0x3F9D];
	s0 =	simm.s32 @p0 $0x1  }
0x13: {  	[smem:$0x3FB8] =	sst s0;
	s0 =	simm.s32 @!p1 $0x0  }
0x14: {  	s2 =	sld [smem:$0x3F9C];
	s0 =	simm.s32 @p1 $0x1  }
0x15: {  	[smem:$0x3FB9] =	sst s0;
	s0 =	simm.s32 @!p2 $0x0  }
0x16: {  	s3 =	sld [smem:$0x3FDB];
	s0 =	simm.s32 @p2 $0x1  }
0x17: {  	s4 =	simm.s32 $0x1BF5;
	[smem:$0x3FBB] =	sst s0  }
0x18: {  	s0 =	sld [smem:$0x3F9E];
	_ =	swait.ge [sflag:s4], $0x0  }
0x19: {  	s7 =	sld [smem:$0x3F9F]  }
0x1a: {  	s8 =	sadd.s32 $0xFFFFE003, lr  }
0x1b: {  	s9 =	sadd.s32 $0xFFFFFEF7, lr;
	s5 =	simm.s32 $0xFFFFFFFF;
	p2 =	slt.u32 s8, $0xFFFFF086  }
0x1c: {  	p1 =	slt.u32 s9, $0xF7A;
	s5 =	simm.s32 @!p2 $0x0  }
0x1d: {  	s5 =	simm.s32 @p1 $0x1;
	p0 =	seq.s32 s7, s2  }
0x1e: {  	s7 =	smul.u32 @!p0 $0xF7A, s2;
	p2 =	seq.s32 @!p0 s5, $0x0  }
0x1f: {  	s9 =	smul.u32 $0xF7A, s1;
	s8 =	simm.s32 @!p0 $0x1BF5;
	p2 =	por !p2, p0  }
0x20: {  	[sflag:s8] =	ssyncset.s32 @!p0 $0xFFFFF086;
	s6 =	sadd.s32 @!p0 s3, s7;
	s7 =	simm.s32 @!p0 $0x108  }
0x21: {  	s3 =	sadd.s32 s3, s9;
	s6 =	sadd.s32 @!p0 $0x88, s6;
	s7 =	simm.s32 @p2 $0x1082  }
0x22: {  	[simem:s7], [sflag:s8] =	dma.local @!p0 [hbm:s6], $0xF7A  }
0x23: {  	s9 =	sor.u32 $0xD0000000, s2;
	s6 =	simm.s32 $0x108;
	_ =	swait.ge @!p0 [sflag:s8], $0x0  }
0x24: {  	s3 =	sadd.s32 $0x88, s3;
	s6 =	simm.s32 @!p1 $0x1082;
	[sflag:s4] =	ssyncset.s32 $0xFFFFF086  }
0x25: {  	[simem:s6], [sflag:s4] =	dma.local [hbm:s3], $0xF7A  }
0x26: {  	[smem:$0x3F9F] =	sst s1;
	(tag) =	ssettag s2;
	_ =	strace s9  }
0x27: {  	s1 =	sld [smem:$0x3FAF]  }
0x28: {  	s2 =	sld [smem:$0x3FB0]  }
0x29: {  	s4 =	sld [smem:$0x3FB2]  }
0x2a: {  	p0 =	seq.s32 s5, $0x0;
	s5 =	sld [smem:$0x3FB3]  }
0x2b: {  	s6 =	sld [smem:$0x3FB4]  }
0x2c: {  	s7 =	sld [smem:$0x3FB5]  }
0x2d: {  	s3 =	simm.s32 $0x108;
	s8 =	sld [smem:$0x3FB6]  }
0x2e: {  	s3 =	simm.s32 @!p0 $0x1082;
	s9 =	sld [smem:$0x3FB7]  }
0x2f: {  	lr =	sadd.s32 s0, s3;
	s0 =	sld [smem:$0x3FAE]  }
0x30: {  	s3 =	sld [smem:$0x3FB1]  }
0x31: {  	[smem:$0x3FBA] =	sst s10  }
0x32: {  	s10 =	sld [smem:$0x3FB8];
	_ =	sdelay $0x3  }
0x33: {  	p0 =	seq.s32 s10, $0x1;
	s10 =	sld [smem:$0x3FBA];
	_ =	sdelay $0x3  }
0x34: {  	[smem:$0x3FBA] =	sst s10  }
0x35: {  	s10 =	sld [smem:$0x3FB9];
	_ =	sdelay $0x3  }
0x36: {  	p1 =	seq.s32 s10, $0x1;
	s10 =	sld [smem:$0x3FBA];
	_ =	sdelay $0x3  }
0x37: {  	[smem:$0x3FBA] =	sst s10  }
0x38: {  	s10 =	sld [smem:$0x3FBB]  }
0x39: {  	_ = 	snop;
	(pc) =	sbr.ind lr, $3  }
0x3a: {  	_ = 	snop  }
0x3b: {  	_ = 	snop  }
0x3c: {  	p2 =	seq.s32 s10, $0x1;
	s10 =	sld [smem:$0x3FBA]  }
0x3d: {  	_ =	shalt  }
0x3e: {  	_ =	shalt  }
0x3f: {  	_ =	shalt  }
0x40: {  	_ =	shalt  }
0x41: {  	_ =	shalt  }
0x42: {  	_ =	shalt  }
0x43: {  	_ =	shalt  }
0x44: {  	_ =	shalt  }
0x45: {  	_ =	shalt  }
0x46: {  	_ =	shalt  }
0x47: {  	_ =	shalt  }
0x48: {  	_ =	shalt  }
0x49: {  	_ =	shalt  }
0x4a: {  	_ =	shalt  }
0x4b: {  	_ =	shalt  }
0x4c: {  	_ =	shalt  }
0x4d: {  	_ =	shalt  }
0x4e: {  	_ =	shalt  }
0x4f: {  	_ =	shalt  }
0x50: {  	_ =	shalt  }
0x51: {  	_ =	shalt  }
0x52: {  	_ =	shalt  }
0x53: {  	_ =	shalt  }
0x54: {  	_ =	shalt  }
0x55: {  	_ =	shalt  }
0x56: {  	_ =	shalt  }
0x57: {  	_ =	shalt  }
0x58: {  	_ =	shalt  }
0x59: {  	_ =	shalt  }
0x5a: {  	_ =	shalt  }
0x5b: {  	_ =	shalt  }
0x5c: {  	_ =	shalt  }
0x5d: {  	_ =	shalt  }
0x5e: {  	_ =	shalt  }
0x5f: {  	_ =	shalt  }
0x60: {  	_ =	shalt  }
0x61: {  	_ =	shalt  }
0x62: {  	_ =	shalt  }
0x63: {  	_ =	shalt  }
0x64: {  	_ =	shalt  }
0x65: {  	_ =	shalt  }
0x66: {  	_ =	shalt  }
0x67: {  	_ =	shalt  }
0x68: {  	_ =	shalt  }
0x69: {  	_ =	shalt  }
0x6a: {  	_ =	shalt  }
0x6b: {  	_ =	shalt  }
0x6c: {  	_ =	shalt  }
0x6d: {  	_ =	shalt  }
0x6e: {  	_ =	shalt  }
0x6f: {  	_ =	shalt  }
0x70: {  	_ =	shalt  }
0x71: {  	_ =	shalt  }
0x72: {  	_ =	shalt  }
0x73: {  	_ =	shalt  }
0x74: {  	_ =	shalt  }
0x75: {  	_ =	shalt  }
0x76: {  	_ =	shalt  }
0x77: {  	_ =	shalt  }
0x78: {  	_ =	shalt  }
0x79: {  	_ =	shalt  }
0x7a: {  	_ =	shalt  }
0x7b: {  	_ =	shalt  }
0x7c: {  	_ =	shalt  }
0x7d: {  	_ =	shalt  }
0x7e: {  	_ =	shalt  }
0x7f: {  	_ =	shalt  }
0x80: {  	_ =	shalt  }
0x81: {  	_ =	shalt  }
0x82: {  	_ =	shalt  }
0x83: {  	_ =	shalt  }
0x84: {  	_ =	shalt  }
0x85: {  	_ =	shalt  }
0x86: {  	_ =	shalt  }
0x87: {  	_ =	shalt  }
.Lfunc_end0:
.L_simem_size_0:
called_computation_lowered:
.L_overlay_start_0:
0x88: {  	s2 =	sld [smem:$0x3FD9]  }
0x89: {  	s3 =	sld [smem:$0x3FFE];
	_ =	sdelay $0x1  }
0x8a: {  	s1 =	srdreg.scid  }
0x8b: {  	s0 =	sand.u32 $0x1, s1  }
0x8c: {  	s14 =	sshll.u32 s0, $0xA;
	s2 =	sadd.s32 s3, s2  }
0x8d: {  	s2 =	sadd.s32 s2, s14  }
0x8e: {  	[smem:$0x3FC6] =	sst s2  }
0x8f: {  	_ = 	snop  }
0x90: {  	s2 =	sld [smem:$0x3FD0];
	_ =	sdelay $0x2  }
0x91: {  	s15 =	simm.s32 $0xA;
	s4 =	simm.s32 $0x10  }
0x92: {  	[smem:s4], [sflag:s15] =	dma.local [hbm:s2], $0x1  }
0x93: {  	_ =	swait.eq [sflag:s15], $0x1  }
0x94: {  	[sflag:s15] =	ssyncset.done $0x0  }
0x95: {  	[sflag:s15] =	ssyncadd.s32 $0xFFFFFFFF  }
0x96: {  	s16 =	sld [smem:$0x10];
	(tm) =	ssettm $0x1  }
0x97: {  	s17 =	sld [smem:$0x3FFB];
	_ =	sdelay $0x3  }
0x98: {  	_ =	strace s17  }
0x99: {  	s3 =	sld [smem:$0x3FFC];
	_ =	sdelay $0x3  }
0x9a: {  	_ =	strace s3  }
0x9b: {  	s3 =	sld [smem:$0x3FFD];
	_ =	sdelay $0x3  }
0x9c: {  	_ =	strace s3  }
0x9d: {  	_ =	strace $0x8FFFFFFF  }
0x9e: {  	s18 =	sld [smem:$0x3FDB];
	_ =	sdelay $0x1  }
0x9f: {  	s19 =	simm.s32 $_scs_section_size  }
0xa0: {  	s5 =	simm.s32 $_size__tile_overlayer_lowered;
	s6 =	simm.s32 $_tile_overlayer_lowered  }
0xa1: {  	s22 =	simm.s32 $0x1BFF;
	s21 =	sshll.u32 s6, $0x1;
	s3 =	sadd.s32 s19, s18  }
0xa2: {  	s7 =	simm.s32 $0x0;
	s20 =	sshll.u32 s5, $0x1;
	s5 =	sadd.s32 s21, s3  }
0xa3: {  	[timem:s7], [sflag:s22] =	dma.local [hbm:s5], s20  }
0xa4: {  	_ =	swait.ge [sflag:s22], s20  }
0xa5: {  	s4 =	ssub.s32 $0x0, s20;
	[sflag:s22] =	ssyncset.done $0x0  }
0xa6: {  	[sflag:s22] =	ssyncadd.s32 s4;
	_ =	sdelay $0x1  }
0xa7: {  	s23 =	simm.s32 $0x1B8B  }
0xa8: {  	_ =	swait.ge [sflag:s23], $0x1  }
0xa9: {  	[sflag:s23] =	ssyncset.done $0x0  }
0xaa: {  	s25 =	simm.s32 $0x1B8E;
	s24 =	sld [smem:$0x3FFE];
	[sflag:s23] =	ssyncadd.s32 $0xFFFFFFFF  }
0xab: {  	s26 =	simm.s32 $execute0_lowered;
	[smem:$0x3FD2] =	sst s25  }
0xac: {  	s5 =	sshll.u32 s26, $0x1;
	_ =	strace $0x80000046;
	[dreg:$0x1] =	wrdreg $0xFFFFFFFF  }
0xad: {  	s28 =	simm.s32 $_size_execute0_lowered;
	s3 =	sadd.s32 s3, s5;
	[dreg:$0x0] =	wrdreg $0x0  }
0xae: {  	s5 =	sshll.u32 s28, $0x1;
	[dreg:$0x2] =	wrdreg s3  }
0xaf: {  	[dreg:$0x3] =	wrdreg s5  }
0xb0: {  	[dreg:$0x4] =	wrdreg $0xC0  }
0xb1: {  	_ =	task [dreg:s7], $0x5FFFF  }
0xb2: {  	[dreg:$0x1] =	wrdreg $0xFFFFFFFF  }
0xb3: {  	[dreg:$0x0] =	wrdreg $0x60  }
0xb4: {  	[dreg:$0x2] =	wrdreg s24  }
0xb5: {  	[dreg:$0x3] =	wrdreg s16  }
0xb6: {  	[dreg:$0x4] =	wrdreg $0x9  }
0xb7: {  	_ =	task.clear_ibuf [dreg:s7], $0x5FFFF;
	_ =	strace $0x90000046  }
0xb8: {  	s29 =	simm.s32 $0x9;
	_ =	strace $0x80000048  }
0xb9: {  	_ =	swait.ge [sflag:s29], $0x1  }
0xba: {  	[sflag:s29] =	ssyncadd.s32 $0xFFFFFFFF  }
0xbb: {  	_ =	strace $0x90000048  }
0xbc: {  	_ =	sfence  }
0xbd: {  	s30 =	sld [smem:$0x0];
	_ =	sdelay $0x2  }
0xbe: {  	s31 =	sshll.u32 s1, $0xD;
	s1 =	sshrl.u32 s1, $0x2  }
0xbf: {  	s3 =	sand.u32 $0x4000, s31;
	s1 =	sadd.s32 s1, s30  }
0xc0: {  	s0 =	sor.u32 s3, s0;
	s1 =	sshll.u32 s1, $0x11  }
0xc1: {  	s0 =	sor.u32 s1, s0  }
0xc2: {  	s0 =	sadd.s32 $0x8F2B, s0  }
0xc3: {  	[sflag:s0] =	ssyncadd.remote.s32 $0x1  }
0xc4: {  	_ =	sfence.sel $0xFFFF  }
0xc5: {  	[dreg:$0x0] =	wrdreg $0xFFFFFFFF;
	(pc) =	sbr.abs _section_cstart, $3  }
0xc6: {  	[dreg:$0x1] =	wrdreg $0xFFFFFFFF  }
0xc7: {  	_ =	task.clear_ibuf [dreg:s7], $0x2FFFF;
	_ =	strace $0x9FFFFFFF  }
0xc8: {  	(tm) =	ssettm $0x7FFFFFFF  }
0xc9: {  	_ =	shalt  }
tec
execute0_lowered:
.L_overlay_start_1:
0x0: {  	(tag) =	ssettag $0x1  }
0x1: {  	s4 =	rddreg [dreg:$0x0];
	s1 =	srdreg.scid  }
0x2: {  	s0 =	stileid.u32;
	s5 =	rddreg [dreg:$0x1];
	s2 =	simm.s32 $0x0  }
0x3: {  	s9 =	simm.s32 $0x1;
	s3 =	sand.u32 $0x1, s1;
	s6 =	sshll.u32 s0, $0x1  }
0x4: {  	s10 =	simm.s32 $0x10280;
	s1 =	rddreg [dreg:$0x2];
	s6 =	sor.u32 s3, s6  }
0x5: {  	s11 =	simm.s32 $0x0;
	[smem:$0x7FF] =	sst s2;
	s7 =	smul.u32 $0x50, s6  }
0x6: {  	_ =	strace $0x80000047;
	s8 =	ssub.s32 $0x2, s3;
	s6 =	smul.u32 $0x1400, s6  }
0x7: {  	s3 =	sadd.s32 $0x1000, s4;
	s31 =	sshrl.u32 s8, $0x1;
	s4 =	sadd.s32 s7, s4  }
0x8: {  	s7 =	ssub.s32 s8, s31;
	s5 =	sadd.s32 s5, s6;
	s8 =	simm.s32 $0x2  }
0x9: {  	s4 =	sadd.s32 $0x3000, s4;
	s6 =	smax.u32 s7, $0x1;
	s7 =	simm.s32 $0x10000  }
.LBB2_1:
0xa: {  	[tilespmem:s2], [sflag:$0x1] =	stream.linear.gather [hbm4b:s3+s2], $0x10000, $0x38;
	[tilespmem:$0x1A280] =	vst v63  }
0xb: {  	_ = 	snop  }
0xc: {  	[tilespmem:s7], [sflag:$0x2] =	stream.linear.gather [hbm4b:s4+s2], $0x280, $0x38;
	[tilespmem:$0x1A280] =	vst v63  }
0xd: {  	_ =	swait.ge [sflag:s8], $0x280  }
0xe: {  	[sflag:s8] =	ssyncset.done $0x0  }
0xf: {  	[sflag:s8] =	ssyncadd.s32 $0xFFFFFD80  }
0x10: {  	_ =	swait.ge [sflag:s9], $0x10000  }
0x11: {  	[sflag:s9] =	ssyncset.done $0x0  }
0x12: {  	s12 =	simm.s32 $0x0;
	[sflag:s9] =	ssyncadd.s32 $0xFFFF0000  }
0x13: {  	v0 =	vld [tilespmem:s12+$0x10000];
	_ =	sdelay $0x4  }
0x14: {  	v1 =	vadd.s32 $0xC00, v0  }
0x15: {  	v2 =	vadd.s32 $0x400, v0  }
0x16: {  	v3 =	vadd.s32 $0x800, v0;
	_ =	sdelay $0x1  }
0x17: {  	v4 =	vld.idx.msk [tilespmem:v0+s2+$0x0], $0xffff  }
0x18: {  	v1 =	vld.idx.msk [tilespmem:v1+s2+$0x0], $0xffff  }
0x19: {  	v2 =	vld.idx.msk [tilespmem:v2+s2+$0x0], $0xffff  }
0x1a: {  	v3 =	vld.idx.msk [tilespmem:v3+s2+$0x0], $0xffff  }
0x1b: {  	v5 =	vadd.s32 $0x1000, v0  }
0x1c: {  	[tilespmem:s12+$0x10280] =	vst v4;
	v4 =	vadd.s32 $0x1800, v0  }
0x1d: {  	[tilespmem:s12+$0x10A00] =	vst v1;
	v1 =	vadd.s32 $0x1400, v0  }
0x1e: {  	[tilespmem:s12+$0x10500] =	vst v2;
	v2 =	vadd.s32 $0x1C00, v0  }
0x1f: {  	[tilespmem:s12+$0x10780] =	vst v3  }
0x20: {  	v3 =	vld.idx.msk [tilespmem:v5+s2+$0x0], $0xffff  }
0x21: {  	v4 =	vld.idx.msk [tilespmem:v4+s2+$0x0], $0xffff  }
0x22: {  	v1 =	vld.idx.msk [tilespmem:v1+s2+$0x0], $0xffff  }
0x23: {  	v2 =	vld.idx.msk [tilespmem:v2+s2+$0x0], $0xffff  }
0x24: {  	v5 =	vadd.s32 $0x2400, v0  }
0x25: {  	[tilespmem:s12+$0x10C80] =	vst v3;
	v3 =	vadd.s32 $0x2C00, v0  }
0x26: {  	[tilespmem:s12+$0x11180] =	vst v4;
	v4 =	vadd.s32 $0x2800, v0  }
0x27: {  	[tilespmem:s12+$0x10F00] =	vst v1;
	v1 =	vadd.s32 $0x2000, v0  }
0x28: {  	[tilespmem:s12+$0x11400] =	vst v2  }
0x29: {  	v2 =	vld.idx.msk [tilespmem:v5+s2+$0x0], $0xffff  }
0x2a: {  	v3 =	vld.idx.msk [tilespmem:v3+s2+$0x0], $0xffff  }
0x2b: {  	v4 =	vld.idx.msk [tilespmem:v4+s2+$0x0], $0xffff  }
0x2c: {  	v1 =	vld.idx.msk [tilespmem:v1+s2+$0x0], $0xffff  }
0x2d: {  	v5 =	vadd.s32 $0x3400, v0  }
0x2e: {  	[tilespmem:s12+$0x11900] =	vst v2;
	v2 =	vadd.s32 $0x3C00, v0  }
0x2f: {  	[tilespmem:s12+$0x11E00] =	vst v3;
	v3 =	vadd.s32 $0x3800, v0  }
0x30: {  	[tilespmem:s12+$0x11B80] =	vst v4;
	v4 =	vadd.s32 $0x3000, v0  }
0x31: {  	[tilespmem:s12+$0x11680] =	vst v1  }
0x32: {  	v1 =	vld.idx.msk [tilespmem:v5+s2+$0x0], $0xffff  }
0x33: {  	v2 =	vld.idx.msk [tilespmem:v2+s2+$0x0], $0xffff  }
0x34: {  	v3 =	vld.idx.msk [tilespmem:v3+s2+$0x0], $0xffff  }
0x35: {  	v4 =	vld.idx.msk [tilespmem:v4+s2+$0x0], $0xffff  }
0x36: {  	v5 =	vadd.s32 $0x4800, v0  }
0x37: {  	[tilespmem:s12+$0x12300] =	vst v1;
	v1 =	vadd.s32 $0x4400, v0  }
0x38: {  	[tilespmem:s12+$0x12800] =	vst v2;
	v2 =	vadd.s32 $0x4000, v0  }
0x39: {  	[tilespmem:s12+$0x12580] =	vst v3;
	v3 =	vadd.s32 $0x4C00, v0  }
0x3a: {  	[tilespmem:s12+$0x12080] =	vst v4  }
0x3b: {  	v4 =	vld.idx.msk [tilespmem:v5+s2+$0x0], $0xffff  }
0x3c: {  	v1 =	vld.idx.msk [tilespmem:v1+s2+$0x0], $0xffff  }
0x3d: {  	v2 =	vld.idx.msk [tilespmem:v2+s2+$0x0], $0xffff  }
0x3e: {  	v3 =	vld.idx.msk [tilespmem:v3+s2+$0x0], $0xffff  }
0x3f: {  	v5 =	vadd.s32 $0x5000, v0  }
0x40: {  	[tilespmem:s12+$0x12F80] =	vst v4;
	v4 =	vadd.s32 $0x5800, v0  }
0x41: {  	[tilespmem:s12+$0x12D00] =	vst v1;
	v1 =	vadd.s32 $0x5400, v0  }
0x42: {  	[tilespmem:s12+$0x12A80] =	vst v2;
	v2 =	vadd.s32 $0x5C00, v0  }
0x43: {  	[tilespmem:s12+$0x13200] =	vst v3  }
0x44: {  	v3 =	vld.idx.msk [tilespmem:v5+s2+$0x0], $0xffff  }
0x45: {  	v4 =	vld.idx.msk [tilespmem:v4+s2+$0x0], $0xffff  }
0x46: {  	v1 =	vld.idx.msk [tilespmem:v1+s2+$0x0], $0xffff  }
0x47: {  	v2 =	vld.idx.msk [tilespmem:v2+s2+$0x0], $0xffff  }
0x48: {  	v5 =	vadd.s32 $0x6400, v0  }
0x49: {  	[tilespmem:s12+$0x13480] =	vst v3;
	v3 =	vadd.s32 $0x6800, v0  }
0x4a: {  	[tilespmem:s12+$0x13980] =	vst v4;
	v4 =	vadd.s32 $0x6000, v0  }
0x4b: {  	[tilespmem:s12+$0x13700] =	vst v1;
	v1 =	vadd.s32 $0x6C00, v0  }
0x4c: {  	[tilespmem:s12+$0x13C00] =	vst v2  }
0x4d: {  	v2 =	vld.idx.msk [tilespmem:v5+s2+$0x0], $0xffff  }
0x4e: {  	v3 =	vld.idx.msk [tilespmem:v3+s2+$0x0], $0xffff  }
0x4f: {  	v4 =	vld.idx.msk [tilespmem:v4+s2+$0x0], $0xffff  }
0x50: {  	v1 =	vld.idx.msk [tilespmem:v1+s2+$0x0], $0xffff  }
0x51: {  	v5 =	vadd.s32 $0x7800, v0  }
0x52: {  	[tilespmem:s12+$0x14100] =	vst v2;
	v2 =	vadd.s32 $0x7400, v0  }
0x53: {  	[tilespmem:s12+$0x14380] =	vst v3;
	v3 =	vadd.s32 $0x7000, v0  }
0x54: {  	[tilespmem:s12+$0x13E80] =	vst v4;
	v4 =	vadd.s32 $0x7C00, v0  }
0x55: {  	[tilespmem:s12+$0x14600] =	vst v1  }
0x56: {  	v1 =	vld.idx.msk [tilespmem:v5+s2+$0x0], $0xffff  }
0x57: {  	v2 =	vld.idx.msk [tilespmem:v2+s2+$0x0], $0xffff  }
0x58: {  	v3 =	vld.idx.msk [tilespmem:v3+s2+$0x0], $0xffff  }
0x59: {  	v4 =	vld.idx.msk [tilespmem:v4+s2+$0x0], $0xffff  }
0x5a: {  	v5 =	vadd.s32 $0x8400, v0  }
0x5b: {  	[tilespmem:s12+$0x14D80] =	vst v1  }
0x5c: {  	v1 =	vadd.s32 $0x8C00, v0;
	[tilespmem:s12+$0x14B00] =	vst v2  }
0x5d: {  	v2 =	vadd.s32 $0x8000, v0;
	[tilespmem:s12+$0x14880] =	vst v3  }
0x5e: {  	v3 =	vadd.s32 $0x8800, v0;
	[tilespmem:s12+$0x15000] =	vst v4  }
0x5f: {  	v4 =	vld.idx.msk [tilespmem:v5+s2+$0x0], $0xffff;
	_ =	sdelay $0x1  }
0x60: {  	v1 =	vld.idx.msk [tilespmem:v1+s2+$0x0], $0xffff  }
0x61: {  	v2 =	vld.idx.msk [tilespmem:v2+s2+$0x0], $0xffff  }
0x62: {  	v3 =	vld.idx.msk [tilespmem:v3+s2+$0x0], $0xffff  }
0x63: {  	[tilespmem:s12+$0x15500] =	vst v4;
	v4 =	vadd.s32 $0x9000, v0  }
0x64: {  	v5 =	vadd.s32 $0x9400, v0  }
0x65: {  	[tilespmem:s12+$0x15A00] =	vst v1;
	v1 =	vadd.s32 $0x9C00, v0  }
0x66: {  	[tilespmem:s12+$0x15280] =	vst v2;
	v2 =	vadd.s32 $0x9800, v0  }
0x67: {  	[tilespmem:s12+$0x15780] =	vst v3  }
0x68: {  	v4 =	vld.idx.msk [tilespmem:v4+s2+$0x0], $0xffff  }
0x69: {  	v3 =	vld.idx.msk [tilespmem:v5+s2+$0x0], $0xffff  }
0x6a: {  	v1 =	vld.idx.msk [tilespmem:v1+s2+$0x0], $0xffff  }
0x6b: {  	v2 =	vld.idx.msk [tilespmem:v2+s2+$0x0], $0xffff  }
0x6c: {  	v5 =	vadd.s32 $0xA800, v0  }
0x6d: {  	[tilespmem:s12+$0x15C80] =	vst v4;
	v4 =	vadd.s32 $0xA000, v0  }
0x6e: {  	[tilespmem:s12+$0x15F00] =	vst v3;
	v3 =	vadd.s32 $0xA400, v0  }
0x6f: {  	[tilespmem:s12+$0x16400] =	vst v1;
	v1 =	vadd.s32 $0xAC00, v0  }
0x70: {  	[tilespmem:s12+$0x16180] =	vst v2  }
0x71: {  	v2 =	vld.idx.msk [tilespmem:v5+s2+$0x0], $0xffff  }
0x72: {  	v4 =	vld.idx.msk [tilespmem:v4+s2+$0x0], $0xffff  }
0x73: {  	v3 =	vld.idx.msk [tilespmem:v3+s2+$0x0], $0xffff  }
0x74: {  	v1 =	vld.idx.msk [tilespmem:v1+s2+$0x0], $0xffff  }
0x75: {  	v5 =	vadd.s32 $0xB800, v0  }
0x76: {  	[tilespmem:s12+$0x16B80] =	vst v2;
	v2 =	vadd.s32 $0xBC00, v0  }
0x77: {  	[tilespmem:s12+$0x16680] =	vst v4;
	v4 =	vadd.s32 $0xB000, v0  }
0x78: {  	[tilespmem:s12+$0x16900] =	vst v3;
	v3 =	vadd.s32 $0xB400, v0  }
0x79: {  	[tilespmem:s12+$0x16E00] =	vst v1  }
0x7a: {  	v1 =	vld.idx.msk [tilespmem:v5+s2+$0x0], $0xffff  }
0x7b: {  	s13 =	simm.s32 $0x40;
	v2 =	vld.idx.msk [tilespmem:v2+s2+$0x0], $0xffff  }
.LBB2_2:
0x7c: {  	p0 =	sne.s32 s13, $0x8C0;
	v4 =	vld.idx.msk [tilespmem:v4+s2+$0x0], $0xffff;
	s14 =	smov.u32 s13;
	s13 =	sadd.s32 $0x40, s13  }
0x7d: {  	v3 =	vld.idx.msk [tilespmem:v3+s2+$0x0], $0xffff;
	_ =	sdelay $0x1  }
0x7e: {  	v5 =	vadd.s32 $0xC000, v0  }
0x7f: {  	[tilespmem:s12+$0x17580] =	vst v1;
	v1 =	vadd.s32 $0xC800, v0  }
0x80: {  	[tilespmem:s12+$0x17800] =	vst v2;
	v2 =	vadd.s32 $0xCC00, v0  }
0x81: {  	[tilespmem:s12+$0x17080] =	vst v4;
	v4 =	vadd.s32 $0xC400, v0  }
0x82: {  	[tilespmem:s12+$0x17300] =	vst v3  }
0x83: {  	v3 =	vld.idx.msk [tilespmem:v5+s2+$0x0], $0xffff  }
0x84: {  	v1 =	vld.idx.msk [tilespmem:v1+s2+$0x0], $0xffff  }
0x85: {  	v2 =	vld.idx.msk [tilespmem:v2+s2+$0x0], $0xffff  }
0x86: {  	v4 =	vld.idx.msk [tilespmem:v4+s2+$0x0], $0xffff;
	_ =	sdelay $0x1  }
0x87: {  	v5 =	vadd.s32 $0xD400, v0  }
0x88: {  	[tilespmem:s12+$0x17A80] =	vst v3;
	v3 =	vadd.s32 $0xDC00, v0  }
0x89: {  	[tilespmem:s12+$0x17F80] =	vst v1;
	v1 =	vadd.s32 $0xD000, v0  }
0x8a: {  	[tilespmem:s12+$0x18200] =	vst v2;
	v2 =	vadd.s32 $0xD800, v0  }
0x8b: {  	[tilespmem:s12+$0x17D00] =	vst v4  }
0x8c: {  	v4 =	vld.idx.msk [tilespmem:v5+s2+$0x0], $0xffff  }
0x8d: {  	v3 =	vld.idx.msk [tilespmem:v3+s2+$0x0], $0xffff  }
0x8e: {  	v1 =	vld.idx.msk [tilespmem:v1+s2+$0x0], $0xffff  }
0x8f: {  	v2 =	vld.idx.msk [tilespmem:v2+s2+$0x0], $0xffff;
	_ =	sdelay $0x1  }
0x90: {  	v5 =	vadd.s32 $0xE400, v0  }
0x91: {  	[tilespmem:s12+$0x18700] =	vst v4;
	v4 =	vadd.s32 $0xE800, v0  }
0x92: {  	[tilespmem:s12+$0x18C00] =	vst v3;
	v3 =	vadd.s32 $0xE000, v0  }
0x93: {  	[tilespmem:s12+$0x18480] =	vst v1;
	v1 =	vadd.s32 $0xEC00, v0  }
0x94: {  	[tilespmem:s12+$0x18980] =	vst v2  }
0x95: {  	v2 =	vld.idx.msk [tilespmem:v5+s2+$0x0], $0xffff  }
0x96: {  	v4 =	vld.idx.msk [tilespmem:v4+s2+$0x0], $0xffff  }
0x97: {  	v3 =	vld.idx.msk [tilespmem:v3+s2+$0x0], $0xffff  }
0x98: {  	v1 =	vld.idx.msk [tilespmem:v1+s2+$0x0], $0xffff;
	_ =	sdelay $0x1  }
0x99: {  	v5 =	vadd.s32 $0xF000, v0  }
0x9a: {  	[tilespmem:s12+$0x19100] =	vst v2;
	v2 =	vadd.s32 $0xFC00, v0  }
0x9b: {  	[tilespmem:s12+$0x19380] =	vst v4;
	v4 =	vadd.s32 $0xF400, v0  }
0x9c: {  	[tilespmem:s12+$0x18E80] =	vst v3;
	v3 =	vadd.s32 $0xF800, v0  }
0x9d: {  	[tilespmem:s12+$0x19600] =	vst v1  }
0x9e: {  	v1 =	vld.idx.msk [tilespmem:v5+s2+$0x0], $0xffff  }
0x9f: {  	v2 =	vld.idx.msk [tilespmem:v2+s2+$0x0], $0xffff  }
0xa0: {  	s14 =	sshra.s32 s14, $0x2;
	v4 =	vld.idx.msk [tilespmem:v4+s2+$0x0], $0xffff  }
0xa1: {  	v0 =	vld [tilespmem:s14+$0x10000]  }
0xa2: {  	v3 =	vld.idx.msk [tilespmem:v3+s2+$0x0], $0xffff;
	_ =	sdelay $0x1  }
0xa3: {  	[tilespmem:s12+$0x19880] =	vst v1  }
0xa4: {  	[tilespmem:s12+$0x1A000] =	vst v2  }
0xa5: {  	v1 =	vadd.s32 $0x400, v0;
	v2 =	vadd.s32 $0x800, v0;
	v5 =	vadd.s32 $0xC00, v0;
	[tilespmem:s12+$0x19B00] =	vst v4;
	_ =	sdelay $0x1  }
0xa6: {  	[tilespmem:s12+$0x19D80] =	vst v3;
	s12 =	smov.u32 s14;
	_ =	sdelay $0x1  }
0xa7: {  	v3 =	vld.idx.msk [tilespmem:v0+s2+$0x0], $0xffff  }
0xa8: {  	v4 =	vld.idx.msk [tilespmem:v5+s2+$0x0], $0xffff  }
0xa9: {  	v1 =	vld.idx.msk [tilespmem:v1+s2+$0x0], $0xffff  }
0xaa: {  	v2 =	vld.idx.msk [tilespmem:v2+s2+$0x0], $0xffff;
	_ =	sdelay $0x1  }
0xab: {  	v5 =	vadd.s32 $0x1000, v0  }
0xac: {  	[tilespmem:s12+$0x10280] =	vst v3;
	v3 =	vadd.s32 $0x1800, v0  }
0xad: {  	[tilespmem:s12+$0x10A00] =	vst v4;
	v4 =	vadd.s32 $0x1400, v0  }
0xae: {  	[tilespmem:s12+$0x10500] =	vst v1;
	v1 =	vadd.s32 $0x1C00, v0  }
0xaf: {  	[tilespmem:s12+$0x10780] =	vst v2  }
0xb0: {  	v2 =	vld.idx.msk [tilespmem:v5+s2+$0x0], $0xffff  }
0xb1: {  	v3 =	vld.idx.msk [tilespmem:v3+s2+$0x0], $0xffff  }
0xb2: {  	v4 =	vld.idx.msk [tilespmem:v4+s2+$0x0], $0xffff  }
0xb3: {  	v1 =	vld.idx.msk [tilespmem:v1+s2+$0x0], $0xffff;
	_ =	sdelay $0x1  }
0xb4: {  	v5 =	vadd.s32 $0x2400, v0  }
0xb5: {  	[tilespmem:s12+$0x10C80] =	vst v2;
	v2 =	vadd.s32 $0x2C00, v0  }
0xb6: {  	[tilespmem:s12+$0x11180] =	vst v3;
	v3 =	vadd.s32 $0x2800, v0  }
0xb7: {  	[tilespmem:s12+$0x10F00] =	vst v4;
	v4 =	vadd.s32 $0x2000, v0  }
0xb8: {  	[tilespmem:s12+$0x11400] =	vst v1  }
0xb9: {  	v1 =	vld.idx.msk [tilespmem:v5+s2+$0x0], $0xffff  }
0xba: {  	v2 =	vld.idx.msk [tilespmem:v2+s2+$0x0], $0xffff  }
0xbb: {  	v3 =	vld.idx.msk [tilespmem:v3+s2+$0x0], $0xffff  }
0xbc: {  	v4 =	vld.idx.msk [tilespmem:v4+s2+$0x0], $0xffff;
	_ =	sdelay $0x1  }
0xbd: {  	v5 =	vadd.s32 $0x3400, v0  }
0xbe: {  	[tilespmem:s12+$0x11900] =	vst v1;
	v1 =	vadd.s32 $0x3C00, v0  }
0xbf: {  	[tilespmem:s12+$0x11E00] =	vst v2;
	v2 =	vadd.s32 $0x3800, v0  }
0xc0: {  	[tilespmem:s12+$0x11B80] =	vst v3;
	v3 =	vadd.s32 $0x3000, v0  }
0xc1: {  	[tilespmem:s12+$0x11680] =	vst v4  }
0xc2: {  	v4 =	vld.idx.msk [tilespmem:v5+s2+$0x0], $0xffff  }
0xc3: {  	v1 =	vld.idx.msk [tilespmem:v1+s2+$0x0], $0xffff  }
0xc4: {  	v2 =	vld.idx.msk [tilespmem:v2+s2+$0x0], $0xffff  }
0xc5: {  	v3 =	vld.idx.msk [tilespmem:v3+s2+$0x0], $0xffff;
	_ =	sdelay $0x1  }
0xc6: {  	v5 =	vadd.s32 $0x4800, v0  }
0xc7: {  	[tilespmem:s12+$0x12300] =	vst v4;
	v4 =	vadd.s32 $0x4400, v0  }
0xc8: {  	[tilespmem:s12+$0x12800] =	vst v1;
	v1 =	vadd.s32 $0x4000, v0  }
0xc9: {  	[tilespmem:s12+$0x12580] =	vst v2;
	v2 =	vadd.s32 $0x4C00, v0  }
0xca: {  	[tilespmem:s12+$0x12080] =	vst v3  }
0xcb: {  	v3 =	vld.idx.msk [tilespmem:v5+s2+$0x0], $0xffff  }
0xcc: {  	v4 =	vld.idx.msk [tilespmem:v4+s2+$0x0], $0xffff  }
0xcd: {  	v1 =	vld.idx.msk [tilespmem:v1+s2+$0x0], $0xffff  }
0xce: {  	v2 =	vld.idx.msk [tilespmem:v2+s2+$0x0], $0xffff;
	_ =	sdelay $0x1  }
0xcf: {  	v5 =	vadd.s32 $0x5000, v0  }
0xd0: {  	[tilespmem:s12+$0x12F80] =	vst v3;
	v3 =	vadd.s32 $0x5800, v0  }
0xd1: {  	[tilespmem:s12+$0x12D00] =	vst v4;
	v4 =	vadd.s32 $0x5400, v0  }
0xd2: {  	[tilespmem:s12+$0x12A80] =	vst v1;
	v1 =	vadd.s32 $0x5C00, v0  }
0xd3: {  	[tilespmem:s12+$0x13200] =	vst v2  }
0xd4: {  	v2 =	vld.idx.msk [tilespmem:v5+s2+$0x0], $0xffff  }
0xd5: {  	v3 =	vld.idx.msk [tilespmem:v3+s2+$0x0], $0xffff  }
0xd6: {  	v4 =	vld.idx.msk [tilespmem:v4+s2+$0x0], $0xffff  }
0xd7: {  	v1 =	vld.idx.msk [tilespmem:v1+s2+$0x0], $0xffff;
	_ =	sdelay $0x1  }
0xd8: {  	v5 =	vadd.s32 $0x6400, v0  }
0xd9: {  	[tilespmem:s12+$0x13480] =	vst v2;
	v2 =	vadd.s32 $0x6800, v0  }
0xda: {  	[tilespmem:s12+$0x13980] =	vst v3;
	v3 =	vadd.s32 $0x6000, v0  }
0xdb: {  	[tilespmem:s12+$0x13700] =	vst v4;
	v4 =	vadd.s32 $0x6C00, v0  }
0xdc: {  	[tilespmem:s12+$0x13C00] =	vst v1  }
0xdd: {  	v1 =	vld.idx.msk [tilespmem:v5+s2+$0x0], $0xffff  }
0xde: {  	v2 =	vld.idx.msk [tilespmem:v2+s2+$0x0], $0xffff  }
0xdf: {  	v3 =	vld.idx.msk [tilespmem:v3+s2+$0x0], $0xffff  }
0xe0: {  	v4 =	vld.idx.msk [tilespmem:v4+s2+$0x0], $0xffff;
	_ =	sdelay $0x1  }
0xe1: {  	v5 =	vadd.s32 $0x7800, v0  }
0xe2: {  	[tilespmem:s12+$0x14100] =	vst v1;
	v1 =	vadd.s32 $0x7400, v0  }
0xe3: {  	[tilespmem:s12+$0x14380] =	vst v2;
	v2 =	vadd.s32 $0x7000, v0  }
0xe4: {  	[tilespmem:s12+$0x13E80] =	vst v3;
	v3 =	vadd.s32 $0x7C00, v0  }
0xe5: {  	[tilespmem:s12+$0x14600] =	vst v4  }
0xe6: {  	v4 =	vld.idx.msk [tilespmem:v5+s2+$0x0], $0xffff  }
0xe7: {  	v1 =	vld.idx.msk [tilespmem:v1+s2+$0x0], $0xffff  }
0xe8: {  	v2 =	vld.idx.msk [tilespmem:v2+s2+$0x0], $0xffff  }
0xe9: {  	v3 =	vld.idx.msk [tilespmem:v3+s2+$0x0], $0xffff;
	_ =	sdelay $0x1  }
0xea: {  	v5 =	vadd.s32 $0x8400, v0  }
0xeb: {  	[tilespmem:s12+$0x14D80] =	vst v4;
	v4 =	vadd.s32 $0x8C00, v0  }
0xec: {  	[tilespmem:s12+$0x14B00] =	vst v1;
	v1 =	vadd.s32 $0x8000, v0  }
0xed: {  	[tilespmem:s12+$0x14880] =	vst v2;
	v2 =	vadd.s32 $0x8800, v0  }
0xee: {  	[tilespmem:s12+$0x15000] =	vst v3  }
0xef: {  	v3 =	vld.idx.msk [tilespmem:v5+s2+$0x0], $0xffff  }
0xf0: {  	v4 =	vld.idx.msk [tilespmem:v4+s2+$0x0], $0xffff  }
0xf1: {  	v1 =	vld.idx.msk [tilespmem:v1+s2+$0x0], $0xffff  }
0xf2: {  	v2 =	vld.idx.msk [tilespmem:v2+s2+$0x0], $0xffff;
	_ =	sdelay $0x1  }
0xf3: {  	v5 =	vadd.s32 $0x9400, v0  }
0xf4: {  	[tilespmem:s12+$0x15500] =	vst v3;
	v3 =	vadd.s32 $0x9000, v0  }
0xf5: {  	[tilespmem:s12+$0x15A00] =	vst v4;
	v4 =	vadd.s32 $0x9C00, v0  }
0xf6: {  	[tilespmem:s12+$0x15280] =	vst v1;
	v1 =	vadd.s32 $0x9800, v0  }
0xf7: {  	[tilespmem:s12+$0x15780] =	vst v2  }
0xf8: {  	v2 =	vld.idx.msk [tilespmem:v5+s2+$0x0], $0xffff  }
0xf9: {  	v3 =	vld.idx.msk [tilespmem:v3+s2+$0x0], $0xffff  }
0xfa: {  	v4 =	vld.idx.msk [tilespmem:v4+s2+$0x0], $0xffff  }
0xfb: {  	v1 =	vld.idx.msk [tilespmem:v1+s2+$0x0], $0xffff;
	_ =	sdelay $0x1  }
0xfc: {  	v5 =	vadd.s32 $0xA800, v0  }
0xfd: {  	[tilespmem:s12+$0x15F00] =	vst v2;
	v2 =	vadd.s32 $0xA400, v0  }
0xfe: {  	[tilespmem:s12+$0x15C80] =	vst v3;
	v3 =	vadd.s32 $0xA000, v0  }
0xff: {  	[tilespmem:s12+$0x16400] =	vst v4;
	v4 =	vadd.s32 $0xAC00, v0  }
0x100: {  	[tilespmem:s12+$0x16180] =	vst v1  }
0x101: {  	v1 =	vld.idx.msk [tilespmem:v5+s2+$0x0], $0xffff  }
0x102: {  	v2 =	vld.idx.msk [tilespmem:v2+s2+$0x0], $0xffff  }
0x103: {  	v3 =	vld.idx.msk [tilespmem:v3+s2+$0x0], $0xffff  }
0x104: {  	v5 =	vld.idx.msk [tilespmem:v4+s2+$0x0], $0xffff;
	_ =	sdelay $0x1  }
0x105: {  	v6 =	vadd.s32 $0xB800, v0  }
0x106: {  	v7 =	vadd.s32 $0xBC00, v0;
	[tilespmem:s12+$0x16B80] =	vst v1  }
.Ltmp0:
0x107: {  	v4 =	vadd.s32 $0xB000, v0;
	[tilespmem:s12+$0x16900] =	vst v2;
	(pc) =	sbr.rel @p0 .LBB2_2-.Ltmp0, $4  }
0x108: {  	[tilespmem:s12+$0x16680] =	vst v3;
	v3 =	vadd.s32 $0xB400, v0  }
0x109: {  	[tilespmem:s12+$0x16E00] =	vst v5  }
0x10a: {  	v1 =	vld.idx.msk [tilespmem:v6+s2+$0x0], $0xffff  }
0x10b: {  	v2 =	vld.idx.msk [tilespmem:v7+s2+$0x0], $0xffff  }
0x10c: {  	_ =	sdelay $0x3  }
0x10d: {  	v4 =	vld.idx.msk [tilespmem:v4+s2+$0x0], $0xffff  }
0x10e: {  	v3 =	vld.idx.msk [tilespmem:v3+s2+$0x0], $0xffff  }
0x10f: {  	v5 =	vadd.s32 $0xC000, v0  }
0x110: {  	v49 =	vadd.s32 $0xC800, v0;
	[tilespmem:s12+$0x17580] =	vst v1  }
0x111: {  	v50 =	vadd.s32 $0xCC00, v0;
	[tilespmem:s12+$0x17800] =	vst v2  }
0x112: {  	v51 =	vadd.s32 $0xC400, v0;
	[tilespmem:s12+$0x17080] =	vst v4  }
0x113: {  	[tilespmem:s12+$0x17300] =	vst v3  }
0x114: {  	v3 =	vld.idx.msk [tilespmem:v5+s2+$0x0], $0xffff  }
0x115: {  	v1 =	vld.idx.msk [tilespmem:v49+s2+$0x0], $0xffff  }
0x116: {  	v2 =	vld.idx.msk [tilespmem:v50+s2+$0x0], $0xffff  }
0x117: {  	v4 =	vld.idx.msk [tilespmem:v51+s2+$0x0], $0xffff  }
0x118: {  	v52 =	vadd.s32 $0xD400, v0  }
0x119: {  	v53 =	vadd.s32 $0xDC00, v0;
	[tilespmem:s12+$0x17A80] =	vst v3  }
0x11a: {  	v54 =	vadd.s32 $0xD000, v0;
	[tilespmem:s12+$0x17F80] =	vst v1  }
0x11b: {  	v55 =	vadd.s32 $0xD800, v0;
	[tilespmem:s12+$0x18200] =	vst v2  }
0x11c: {  	[tilespmem:s12+$0x17D00] =	vst v4  }
0x11d: {  	v4 =	vld.idx.msk [tilespmem:v52+s2+$0x0], $0xffff  }
0x11e: {  	v3 =	vld.idx.msk [tilespmem:v53+s2+$0x0], $0xffff  }
0x11f: {  	v1 =	vld.idx.msk [tilespmem:v54+s2+$0x0], $0xffff  }
0x120: {  	v2 =	vld.idx.msk [tilespmem:v55+s2+$0x0], $0xffff  }
0x121: {  	v56 =	vadd.s32 $0xE400, v0  }
0x122: {  	v57 =	vadd.s32 $0xE800, v0;
	[tilespmem:s12+$0x18700] =	vst v4  }
0x123: {  	v58 =	vadd.s32 $0xE000, v0;
	[tilespmem:s12+$0x18C00] =	vst v3  }
0x124: {  	v59 =	vadd.s32 $0xEC00, v0;
	[tilespmem:s12+$0x18480] =	vst v1  }
0x125: {  	[tilespmem:s12+$0x18980] =	vst v2  }
0x126: {  	v2 =	vld.idx.msk [tilespmem:v56+s2+$0x0], $0xffff  }
0x127: {  	v4 =	vld.idx.msk [tilespmem:v57+s2+$0x0], $0xffff  }
0x128: {  	v3 =	vld.idx.msk [tilespmem:v58+s2+$0x0], $0xffff  }
0x129: {  	v1 =	vld.idx.msk [tilespmem:v59+s2+$0x0], $0xffff  }
0x12a: {  	v60 =	vadd.s32 $0xF000, v0  }
0x12b: {  	v61 =	vadd.s32 $0xFC00, v0;
	[tilespmem:s12+$0x19100] =	vst v2  }
0x12c: {  	v62 =	vadd.s32 $0xF400, v0;
	[tilespmem:s12+$0x19380] =	vst v4  }
0x12d: {  	v63 =	vadd.s32 $0xF800, v0;
	[tilespmem:s12+$0x18E80] =	vst v3  }
0x12e: {  	[tilespmem:s12+$0x19600] =	vst v1  }
0x12f: {  	v1 =	vld.idx.msk [tilespmem:v60+s2+$0x0], $0xffff  }
0x130: {  	v2 =	vld.idx.msk [tilespmem:v61+s2+$0x0], $0xffff  }
0x131: {  	v3 =	vld.idx.msk [tilespmem:v62+s2+$0x0], $0xffff  }
0x132: {  	v0 =	vld.idx.msk [tilespmem:v63+s2+$0x0], $0xffff;
	_ =	sdelay $0x1  }
0x133: {  	[tilespmem:s12+$0x19880] =	vst v1  }
0x134: {  	s11 =	sadd.s32 $0x1, s11;
	[tilespmem:s12+$0x1A000] =	vst v2  }
0x135: {  	p0 =	sne.s32 s11, s6;
	[tilespmem:s12+$0x19B00] =	vst v3  }
.Ltmp1:
0x136: {  	[tilespmem:s12+$0x19D80] =	vst v0;
	(pc) =	sbr.rel @p0 .LBB2_1-.Ltmp1, $4  }
0x137: {  	[hbm4b:s5+s2] =	stream.linear.scatter [tilespmem:s10], [sflag:$0x2], $0xA000, $0x38;
	[tilespmem:$0x1A280] =	vst v63  }
0x138: {  	_ =	swait.ge [sflag:s8], $0xA000  }
0x139: {  	[sflag:s8] =	ssyncset.done $0x0  }
0x13a: {  	[sflag:s8] =	ssyncadd.s32 $0xFFFF6000  }
0x13b: {  	_ =	sfence.sel $0x180000  }
0x13c: {  	[bflag:$0x0] =	sbarrier.arrive $0xFFFF  }
0x13d: {  	p0 =	sne.s32 s0, $0x0;
	_ =	strace $0x90000047  }
0x13e: {  	s0 =	sadd.s32 @!p0 $0x100000, s1;
	[bflag:$0x2] =	sbarrier.arrive $0xFFFF  }
0x13f: {  	[sflag:s0] =	ssyncadd.tile.s32 @!p0 $0x1;
	_ =	shalt  }
.Lfunc_end2:
_tile_overlayer_lowered:
.L_overlay_start_2:
0x140: {  	(tag) =	ssettag $0x2  }
0x141: {  	s0 =	rddreg [dreg:$0x0];
	s2 =	stileid.u32  }
0x142: {  	s1 =	rddreg [dreg:$0x1];
	p0 =	sne.s32 s2, $0x0  }
0x143: {  	s3 =	rddreg [dreg:$0x2];
	[bflag:$0x3] =	sbarrier.arrive $0xFFFF;
	s2 =	simm.s32 @!p0 $0x1C02  }
0x144: {  	[timem:s3], [sflag:s2] =	dma.local @!p0 [hbm:s0], s1  }
0x145: {  	s0 =	simm.s32 @!p0 $0x2  }
0x146: {  	_ =	swait.ge @!p0 [sflag:s0], s1  }
0x147: {  	s1 =	ssub.s32 @!p0 $0x0, s1;
	[sflag:s0] =	ssyncset.done @!p0 $0x0  }
0x148: {  	[sflag:s0] =	ssyncadd.s32 @!p0 s1  }
0x149: {  	[bflag:$0x3] =	sbarrier.arrive $0xFFFF  }
0x14a: {  	_ =	shalt  }

</sc_bundles>
